<compile_context>
chip_gen: v7x
topology: tpu7x:2x2x1
jax: 0.10.2.dev20260603
libtpu: 0.0.44.dev20260713+nightly
codegen_flags: <defaults>
</compile_context>

<pallas_src>
import functools

import jax
import jax.numpy as jnp
from jax import lax
from jax.experimental import pallas as pl
from jax.experimental.pallas import tpu as pltpu
from jax.experimental.pallas import tpu_sc as plsc

N = 10000
E = 320000
D = 128
R = 16
NB = 8

NC = 2
NS = 16
NW = NC * NS
EPW = E // NW
C = 40
NCHUNK = EPW // C
NBUF = 5
NP = 10240
RPT = NP // NS
SST = 2000


def _xw_body(a_ref, v_ref, f_ref, out_ref):
    w = jax.lax.dot_general(a_ref[...], v_ref[...],
                            (((1,), (0,)), ((), ())),
                            preferred_element_type=jnp.float32)
    w = w.astype(jnp.bfloat16)
    f = f_ref[...].astype(jnp.bfloat16)
    for rr in range(R):
        out_ref[rr] = jnp.dot(f, w[rr], preferred_element_type=jnp.float32)


def _final_body(f_ref, w_ref, p_ref, out_ref):
    acc = p_ref[0] + p_ref[1] + jnp.dot(f_ref[...], w_ref[...],
                                        preferred_element_type=jnp.float32)
    out_ref[...] = jnp.maximum(acc, 0.0)


def _sc_body(adj_hbm, rel_hbm, xw_hbm, out_hbm,
             g_v, srcst_v, dst_v, rows_0, rows_1, rows_2, rows_3, rows_4,
             agg_sh, gs_0, gs_1, gs_2, gs_3, gs_4,
             ss_0, ss_1, ss_2, ss_3, ss_4):
    rows = (rows_0, rows_1, rows_2, rows_3, rows_4)
    gsems = (gs_0, gs_1, gs_2, gs_3, gs_4)
    ssems = (ss_0, ss_1, ss_2, ss_3, ss_4)
    c = lax.axis_index("c")
    s = lax.axis_index("s")
    wid = c * NS + s

    zero16 = jnp.zeros((16,), jnp.float32)

    def zrow(i, carry):
        for j in range(D // 16):
            rows_0[i, pl.ds(j * 16, 16)] = zero16
        return carry

    lax.fori_loop(0, C, zrow, 0)
    for k in range(RPT // C):
        pltpu.sync_copy(rows_0, agg_sh.at[pl.ds(s * RPT + k * C, C)])

    pltpu.sync_copy(rel_hbm.at[pl.ds(wid * EPW, EPW)], g_v)
    pltpu.sync_copy(adj_hbm.at[pl.ds(E + wid * EPW, EPW)], dst_v)
    for h in range(EPW // SST):
        pltpu.sync_copy(adj_hbm.at[pl.ds(wid * EPW + h * SST, SST)], srcst_v)

        def gstep(i, carry):
            sl = pl.ds(h * SST + i * 16, 16)
            g_v[sl] = g_v[sl] * N + srcst_v[pl.ds(i * 16, 16)]
            return carry

        lax.fori_loop(0, SST // 16, gstep, 0)
    plsc.subcore_barrier()

    def start_g(cidx, rbuf, sem):
        pltpu.async_copy(xw_hbm.at[g_v.at[pl.ds(cidx * C, C)]], rbuf, sem)

    def wait_g(cidx, rbuf, sem):
        pltpu.make_async_copy(xw_hbm.at[g_v.at[pl.ds(cidx * C, C)]], rbuf,
                              sem).wait()

    def start_s(cidx, rbuf, sem):
        pltpu.async_copy(rbuf, agg_sh.at[dst_v.at[pl.ds(cidx * C, C)]], sem,
                         add=True)

    def wait_s(cidx, rbuf, sem):
        pltpu.make_async_copy(rbuf, agg_sh.at[dst_v.at[pl.ds(cidx * C, C)]],
                              sem).wait()

    for k in range(NBUF):
        start_g(k, rows[k], gsems[k])

    def body(jj, carry):
        for k in range(NBUF):
            cc = NBUF * jj + k
            wait_g(cc, rows[k], gsems[k])
            start_s(cc, rows[k], ssems[k])
            pk = (k - 1) % NBUF
            pc = cc - 1

            @pl.when(pc >= 0)
            def _():
                wait_s(pc, rows[pk], ssems[pk])

                @pl.when(pc + NBUF < NCHUNK)
                def _():
                    start_g(pc + NBUF, rows[pk], gsems[pk])
        return carry

    lax.fori_loop(0, NCHUNK // NBUF, body, 0)
    wait_s(NCHUNK - 1, rows[(NCHUNK - 1) % NBUF], ssems[(NCHUNK - 1) % NBUF])
    plsc.subcore_barrier()

    pltpu.sync_copy(agg_sh.at[pl.ds(s * RPT, RPT)],
                    out_hbm.at[c, pl.ds(s * RPT, RPT)])


@functools.lru_cache(maxsize=None)
def _make_sc_call():
    return pl.kernel(
        _sc_body,
        mesh=plsc.VectorSubcoreMesh(core_axis_name="c", subcore_axis_name="s"),
        out_type=jax.ShapeDtypeStruct((NC, NP, D), jnp.float32),
        scratch_types=[
            pltpu.VMEM((EPW,), jnp.int32),
            pltpu.VMEM((SST,), jnp.int32),
            pltpu.VMEM((EPW,), jnp.int32),
            pltpu.VMEM((C, D), jnp.float32),
            pltpu.VMEM((C, D), jnp.float32),
            pltpu.VMEM((C, D), jnp.float32),
            pltpu.VMEM((C, D), jnp.float32),
            pltpu.VMEM((C, D), jnp.float32),
            pltpu.VMEM_SHARED((NP, D), jnp.float32),
        ] + [pltpu.SemaphoreType.DMA] * 10,
    )


def kernel(adj, feats, r, V0, a0, Wsl0, V1, a1, Wsl1):
    BN = 1000
    xw = pl.pallas_call(
        _xw_body,
        grid=(N // BN,),
        in_specs=[
            pl.BlockSpec((R, NB), lambda i: (0, 0)),
            pl.BlockSpec((NB, D, D), lambda i: (0, 0, 0)),
            pl.BlockSpec((BN, D), lambda i: (i, 0)),
        ],
        out_specs=pl.BlockSpec((R, BN, D), lambda i: (0, i, 0)),
        out_shape=jax.ShapeDtypeStruct((R, N, D), jnp.float32),
    )(a1, V1, feats)

    partials = _make_sc_call()(adj.reshape(2 * E), r, xw.reshape(N * R, D))

    out = pl.pallas_call(
        _final_body,
        grid=(N // BN,),
        in_specs=[
            pl.BlockSpec((BN, D), lambda i: (i, 0)),
            pl.BlockSpec((D, D), lambda i: (0, 0)),
            pl.BlockSpec((NC, BN, D), lambda i: (0, i, 0)),
        ],
        out_specs=pl.BlockSpec((BN, D), lambda i: (i, 0)),
        out_shape=jax.ShapeDtypeStruct((N, D), jnp.float32),
    )(feats, Wsl1, partials)
    return out

# --- scband reference (transcript-rebuilt; emitter-appended) ---
"""Pipeline reference for scband-base-rgcn-57088705298757 (READ-ONLY COPY).

The authoritative reference and input builder live on the scoring server;
editing this copy changes nothing except your own understanding.
"""

import jax, jax.numpy as jnp
import numpy as np

N = 10000
E = 320000
D = 128
R = 16
NB = 8


def _rgcn_basis_layer(feats, adj, r, V, a, W_self):
    # basis decomposition: W_rel[r] = sum_b a[r,b] * V[b]
    weight = jnp.einsum('rb,bio->rio', a, V)  # [R, in, out]
    # low-memory message computation: (x @ W)[src, r] == x[src] @ W[r]
    xw = jnp.einsum('ni,rio->nro', feats, weight)  # [N, R, out]
    src = adj[0]
    dst = adj[1]
    msg = xw[src, r]  # gather per-edge messages [E, out]
    agg = jax.ops.segment_sum(msg, dst, num_segments=feats.shape[0])  # scatter-add
    h = agg + feats @ W_self  # self loop
    return jax.nn.relu(h)


def setup_inputs(seed: int = 0) -> dict:
    key = jax.random.key(seed)
    ks = jax.random.split(key, 9)
    scale = 1.0 / np.sqrt(D)
    adj = jax.random.randint(ks[0], (2, E), 0, N, dtype=jnp.int32)
    feats = jax.random.normal(ks[1], (N, D), dtype=jnp.float32)
    r = jax.random.randint(ks[2], (E,), 0, R, dtype=jnp.int32)
    # layer 0 (input layer): in=num_nodes(=128), out=h_dim(=128)
    V0 = jax.random.normal(ks[3], (NB, D, D), dtype=jnp.float32) * scale
    a0 = jax.random.normal(ks[4], (R, NB), dtype=jnp.float32) * scale
    Wsl0 = jax.random.normal(ks[5], (D, D), dtype=jnp.float32) * scale
    # layer 1 (output layer): in=h_dim, out=out_dim
    V1 = jax.random.normal(ks[6], (NB, D, D), dtype=jnp.float32) * scale
    a1 = jax.random.normal(ks[7], (R, NB), dtype=jnp.float32) * scale
    Wsl1 = jax.random.normal(ks[8], (D, D), dtype=jnp.float32) * scale
    return {"adj": adj, "feats": feats, "r": r,
            "V0": V0, "a0": a0, "Wsl0": Wsl0,
            "V1": V1, "a1": a1, "Wsl1": Wsl1}


def reference(adj, feats, r, V0, a0, Wsl0, V1, a1, Wsl1):
    # Faithful to the original forward, which (buggily) feeds `feats` to
    # every layer: for layer in layers: h = layer(adj, feats, r); return h
    h = _rgcn_basis_layer(feats, adj, r, V0, a0, Wsl0)
    h = _rgcn_basis_layer(feats, adj, r, V1, a1, Wsl1)
    return h

if __name__ == "__main__":
    import jax
    _d = setup_inputs()
    print(jax.jit(kernel)(*tuple(_d.values())))

</pallas_src>

<mosaic_0001>
#map = affine_map<(d0, d1) -> (0)>
#map1 = affine_map<(d0, d1) -> (0, 0)>
#map2 = affine_map<(d0, d1) -> (0, 0, 0)>
module attributes {stable_mosaic.version = 14 : i64} {
  func.func @_sc_body(%arg0: i32, %arg1: i32, %arg2: memref<640000xi32, #tpu.memory_space<hbm>>, %arg3: memref<320000xi32, #tpu.memory_space<hbm>>, %arg4: memref<160000x128xf32, #tpu.memory_space<hbm>>, %arg5: memref<2x10240x128xf32, #tpu.memory_space<hbm>>, %arg6: memref<10000xi32, #tpu.memory_space<vmem>>, %arg7: memref<2000xi32, #tpu.memory_space<vmem>>, %arg8: memref<10000xi32, #tpu.memory_space<vmem>>, %arg9: memref<40x128xf32, #tpu.memory_space<vmem>>, %arg10: memref<40x128xf32, #tpu.memory_space<vmem>>, %arg11: memref<40x128xf32, #tpu.memory_space<vmem>>, %arg12: memref<40x128xf32, #tpu.memory_space<vmem>>, %arg13: memref<40x128xf32, #tpu.memory_space<vmem>>, %arg14: memref<10240x128xf32, #tpu.memory_space<vmem_shared>>, %arg15: memref<!tpu.dma_semaphore, #tpu.memory_space<semaphore_mem>>, %arg16: memref<!tpu.dma_semaphore, #tpu.memory_space<semaphore_mem>>, %arg17: memref<!tpu.dma_semaphore, #tpu.memory_space<semaphore_mem>>, %arg18: memref<!tpu.dma_semaphore, #tpu.memory_space<semaphore_mem>>, %arg19: memref<!tpu.dma_semaphore, #tpu.memory_space<semaphore_mem>>, %arg20: memref<!tpu.dma_semaphore, #tpu.memory_space<semaphore_mem>>, %arg21: memref<!tpu.dma_semaphore, #tpu.memory_space<semaphore_mem>>, %arg22: memref<!tpu.dma_semaphore, #tpu.memory_space<semaphore_mem>>, %arg23: memref<!tpu.dma_semaphore, #tpu.memory_space<semaphore_mem>>, %arg24: memref<!tpu.dma_semaphore, #tpu.memory_space<semaphore_mem>>) attributes {dimension_semantics = [#tpu.dimension_semantics<core_parallel>, #tpu.dimension_semantics<subcore_parallel>], iteration_bounds = array<i64: 2, 16>, scalar_prefetch = 0 : i64, scratch_operands = 19 : i64, tpu.core_type = #tpu.core_type<sc_vector_subcore>, window_params = [{transform_indices = #map}, {transform_indices = #map}, {transform_indices = #map1}, {transform_indices = #map2}]} {
    %mul3A = arith.constant 16 : i32
    %mul3A_0 = arith.muli %arg0, %mul3A : i32
    %add3A = arith.addi %mul3A_0, %arg1 : i32
    %broadcast_in_dim3A = arith.constant 0.000000e+00 : f32
    %broadcast_in_dim3A_1 = vector.broadcast %broadcast_in_dim3A : f32 to vector<16xf32>
    %scan3A = arith.constant 0 : i32
    %scan3A_2 = arith.constant 0 : i32
    %scan3A_3 = arith.constant 40 : i32
    %scan3A_4 = arith.addi %scan3A_2, %scan3A_3 : i32
    %scan3A_5 = arith.constant 1 : i32
    scf.for %scan3A_166 = %scan3A_2 to %scan3A_4 step %scan3A_5  : i32 {
      %swap3A = arith.index_cast %scan3A_166 : i32 to index
      %swap3A_167 = arith.constant 0 : index
      %swap3A_168 = tpu.vector_load %arg9[%swap3A, %swap3A_167] {strides = array<i32>} : memref<40x128xf32, #tpu.memory_space<vmem>>, vector<1x16xf32>,
      %swap3A_169 = vector.shape_cast %swap3A_168 : vector<1x16xf32> to vector<16xf32>
      %swap3A_170 = vector.shape_cast %broadcast_in_dim3A_1 : vector<16xf32> to vector<1x16xf32>
      tpu.vector_store %arg9[%swap3A, %swap3A_167], %swap3A_170 {strides = array<i32>} : memref<40x128xf32, #tpu.memory_space<vmem>>, vector<1x16xf32>,
      %swap3A_171 = arith.index_cast %scan3A_166 : i32 to index
      %swap3A_172 = arith.constant 16 : index
      %swap3A_173 = tpu.vector_load %arg9[%swap3A_171, %swap3A_172] {strides = array<i32>} : memref<40x128xf32, #tpu.memory_space<vmem>>, vector<1x16xf32>,
      %swap3A_174 = vector.shape_cast %swap3A_173 : vector<1x16xf32> to vector<16xf32>
      %swap3A_175 = vector.shape_cast %broadcast_in_dim3A_1 : vector<16xf32> to vector<1x16xf32>
      tpu.vector_store %arg9[%swap3A_171, %swap3A_172], %swap3A_175 {strides = array<i32>} : memref<40x128xf32, #tpu.memory_space<vmem>>, vector<1x16xf32>,
      %swap3A_176 = arith.index_cast %scan3A_166 : i32 to index
      %swap3A_177 = arith.constant 32 : index
      %swap3A_178 = tpu.vector_load %arg9[%swap3A_176, %swap3A_177] {strides = array<i32>} : memref<40x128xf32, #tpu.memory_space<vmem>>, vector<1x16xf32>,
      %swap3A_179 = vector.shape_cast %swap3A_178 : vector<1x16xf32> to vector<16xf32>
      %swap3A_180 = vector.shape_cast %broadcast_in_dim3A_1 : vector<16xf32> to vector<1x16xf32>
      tpu.vector_store %arg9[%swap3A_176, %swap3A_177], %swap3A_180 {strides = array<i32>} : memref<40x128xf32, #tpu.memory_space<vmem>>, vector<1x16xf32>,
      %swap3A_181 = arith.index_cast %scan3A_166 : i32 to index
      %swap3A_182 = arith.constant 48 : index
      %swap3A_183 = tpu.vector_load %arg9[%swap3A_181, %swap3A_182] {strides = array<i32>} : memref<40x128xf32, #tpu.memory_space<vmem>>, vector<1x16xf32>,
      %swap3A_184 = vector.shape_cast %swap3A_183 : vector<1x16xf32> to vector<16xf32>
      %swap3A_185 = vector.shape_cast %broadcast_in_dim3A_1 : vector<16xf32> to vector<1x16xf32>
      tpu.vector_store %arg9[%swap3A_181, %swap3A_182], %swap3A_185 {strides = array<i32>} : memref<40x128xf32, #tpu.memory_space<vmem>>, vector<1x16xf32>,
      %swap3A_186 = arith.index_cast %scan3A_166 : i32 to index
      %swap3A_187 = arith.constant 64 : index
      %swap3A_188 = tpu.vector_load %arg9[%swap3A_186, %swap3A_187] {strides = array<i32>} : memref<40x128xf32, #tpu.memory_space<vmem>>, vector<1x16xf32>,
      %swap3A_189 = vector.shape_cast %swap3A_188 : vector<1x16xf32> to vector<16xf32>
      %swap3A_190 = vector.shape_cast %broadcast_in_dim3A_1 : vector<16xf32> to vector<1x16xf32>
      tpu.vector_store %arg9[%swap3A_186, %swap3A_187], %swap3A_190 {strides = array<i32>} : memref<40x128xf32, #tpu.memory_space<vmem>>, vector<1x16xf32>,
      %swap3A_191 = arith.index_cast %scan3A_166 : i32 to index
      %swap3A_192 = arith.constant 80 : index
      %swap3A_193 = tpu.vector_load %arg9[%swap3A_191, %swap3A_192] {strides = array<i32>} : memref<40x128xf32, #tpu.memory_space<vmem>>, vector<1x16xf32>,
      %swap3A_194 = vector.shape_cast %swap3A_193 : vector<1x16xf32> to vector<16xf32>
      %swap3A_195 = vector.shape_cast %broadcast_in_dim3A_1 : vector<16xf32> to vector<1x16xf32>
      tpu.vector_store %arg9[%swap3A_191, %swap3A_192], %swap3A_195 {strides = array<i32>} : memref<40x128xf32, #tpu.memory_space<vmem>>, vector<1x16xf32>,
      %swap3A_196 = arith.index_cast %scan3A_166 : i32 to index
      %swap3A_197 = arith.constant 96 : index
      %swap3A_198 = tpu.vector_load %arg9[%swap3A_196, %swap3A_197] {strides = array<i32>} : memref<40x128xf32, #tpu.memory_space<vmem>>, vector<1x16xf32>,
      %swap3A_199 = vector.shape_cast %swap3A_198 : vector<1x16xf32> to vector<16xf32>
      %swap3A_200 = vector.shape_cast %broadcast_in_dim3A_1 : vector<16xf32> to vector<1x16xf32>
      tpu.vector_store %arg9[%swap3A_196, %swap3A_197], %swap3A_200 {strides = array<i32>} : memref<40x128xf32, #tpu.memory_space<vmem>>, vector<1x16xf32>,
      %swap3A_201 = arith.index_cast %scan3A_166 : i32 to index
      %swap3A_202 = arith.constant 112 : index
      %swap3A_203 = tpu.vector_load %arg9[%swap3A_201, %swap3A_202] {strides = array<i32>} : memref<40x128xf32, #tpu.memory_space<vmem>>, vector<1x16xf32>,
      %swap3A_204 = vector.shape_cast %swap3A_203 : vector<1x16xf32> to vector<16xf32>
      %swap3A_205 = vector.shape_cast %broadcast_in_dim3A_1 : vector<16xf32> to vector<1x16xf32>
      tpu.vector_store %arg9[%swap3A_201, %swap3A_202], %swap3A_205 {strides = array<i32>} : memref<40x128xf32, #tpu.memory_space<vmem>>, vector<1x16xf32>,
    }
    %scan3A_6 = arith.constant 40 : i32
    %mul3A_7 = arith.constant 640 : i32
    %mul3A_8 = arith.muli %arg1, %mul3A_7 : i32
    %add3A_9 = arith.constant 0 : i32
    %add3A_10 = arith.addi %mul3A_8, %add3A_9 : i32
    "tpu.region"() ({
      %run_scoped3A = tpu.sem_alloc : memref<!tpu.dma_semaphore, #tpu.memory_space<semaphore_mem>>
      %dma_start3A_166 = arith.constant 0 : i32
      %dma_start3A_167 = tpu.memref_slice %arg14[%add3A_10, %dma_start3A_166] : memref<10240x128xf32, #tpu.memory_space<vmem_shared>> -> memref<40x128xf32, #tpu.memory_space<vmem_shared>>
      %dma_start3A_168 = arith.constant 0 : i32
      %dma_start3A_169 = tpu.memref_slice %arg14[%add3A_10, %dma_start3A_168] : memref<10240x128xf32, #tpu.memory_space<vmem_shared>> -> memref<40x128xf32, #tpu.memory_space<vmem_shared>>
      tpu.enqueue_dma source(%arg9 : memref<40x128xf32, #tpu.memory_space<vmem>>) target(%dma_start3A_169 : memref<40x128xf32, #tpu.memory_space<vmem_shared>>) target_semaphore(%run_scoped3A : memref<!tpu.dma_semaphore, #tpu.memory_space<semaphore_mem>>)
      %dma_wait3A_170 = arith.constant 0 : i32
      %dma_wait3A_171 = tpu.memref_slice %arg14[%add3A_10, %dma_wait3A_170] : memref<10240x128xf32, #tpu.memory_space<vmem_shared>> -> memref<40x128xf32, #tpu.memory_space<vmem_shared>>
      %dma_wait3A_172 = arith.constant 0 : i32
      %dma_wait3A_173 = tpu.memref_slice %arg14[%add3A_10, %dma_wait3A_172] : memref<10240x128xf32, #tpu.memory_space<vmem_shared>> -> memref<40x128xf32, #tpu.memory_space<vmem_shared>>
      tpu.wait_dma2 semaphore(%run_scoped3A : memref<!tpu.dma_semaphore, #tpu.memory_space<semaphore_mem>>) src(%arg9 : memref<40x128xf32, #tpu.memory_space<vmem>>) dst(%dma_wait3A_173 : memref<40x128xf32, #tpu.memory_space<vmem_shared>>)
      tpu.yield
    }) : () -> ()
    %mul3A_11 = arith.constant 640 : i32
    %mul3A_12 = arith.muli %arg1, %mul3A_11 : i32
    %add3A_13 = arith.constant 40 : i32
    %add3A_14 = arith.addi %mul3A_12, %add3A_13 : i32
    "tpu.region"() ({
      %run_scoped3A = tpu.sem_alloc : memref<!tpu.dma_semaphore, #tpu.memory_space<semaphore_mem>>
      %dma_start3A_166 = arith.constant 0 : i32
      %dma_start3A_167 = tpu.memref_slice %arg14[%add3A_14, %dma_start3A_166] : memref<10240x128xf32, #tpu.memory_space<vmem_shared>> -> memref<40x128xf32, #tpu.memory_space<vmem_shared>>
      %dma_start3A_168 = arith.constant 0 : i32
      %dma_start3A_169 = tpu.memref_slice %arg14[%add3A_14, %dma_start3A_168] : memref<10240x128xf32, #tpu.memory_space<vmem_shared>> -> memref<40x128xf32, #tpu.memory_space<vmem_shared>>
      tpu.enqueue_dma source(%arg9 : memref<40x128xf32, #tpu.memory_space<vmem>>) target(%dma_start3A_169 : memref<40x128xf32, #tpu.memory_space<vmem_shared>>) target_semaphore(%run_scoped3A : memref<!tpu.dma_semaphore, #tpu.memory_space<semaphore_mem>>)
      %dma_wait3A_170 = arith.constant 0 : i32
      %dma_wait3A_171 = tpu.memref_slice %arg14[%add3A_14, %dma_wait3A_170] : memref<10240x128xf32, #tpu.memory_space<vmem_shared>> -> memref<40x128xf32, #tpu.memory_space<vmem_shared>>
      %dma_wait3A_172 = arith.constant 0 : i32
      %dma_wait3A_173 = tpu.memref_slice %arg14[%add3A_14, %dma_wait3A_172] : memref<10240x128xf32, #tpu.memory_space<vmem_shared>> -> memref<40x128xf32, #tpu.memory_space<vmem_shared>>
      tpu.wait_dma2 semaphore(%run_scoped3A : memref<!tpu.dma_semaphore, #tpu.memory_space<semaphore_mem>>) src(%arg9 : memref<40x128xf32, #tpu.memory_space<vmem>>) dst(%dma_wait3A_173 : memref<40x128xf32, #tpu.memory_space<vmem_shared>>)
      tpu.yield
    }) : () -> ()
    %mul3A_15 = arith.constant 640 : i32
    %mul3A_16 = arith.muli %arg1, %mul3A_15 : i32
    %add3A_17 = arith.constant 80 : i32
    %add3A_18 = arith.addi %mul3A_16, %add3A_17 : i32
    "tpu.region"() ({
      %run_scoped3A = tpu.sem_alloc : memref<!tpu.dma_semaphore, #tpu.memory_space<semaphore_mem>>
      %dma_start3A_166 = arith.constant 0 : i32
      %dma_start3A_167 = tpu.memref_slice %arg14[%add3A_18, %dma_start3A_166] : memref<10240x128xf32, #tpu.memory_space<vmem_shared>> -> memref<40x128xf32, #tpu.memory_space<vmem_shared>>
      %dma_start3A_168 = arith.constant 0 : i32
      %dma_start3A_169 = tpu.memref_slice %arg14[%add3A_18, %dma_start3A_168] : memref<10240x128xf32, #tpu.memory_space<vmem_shared>> -> memref<40x128xf32, #tpu.memory_space<vmem_shared>>
      tpu.enqueue_dma source(%arg9 : memref<40x128xf32, #tpu.memory_space<vmem>>) target(%dma_start3A_169 : memref<40x128xf32, #tpu.memory_space<vmem_shared>>) target_semaphore(%run_scoped3A : memref<!tpu.dma_semaphore, #tpu.memory_space<semaphore_mem>>)
      %dma_wait3A_170 = arith.constant 0 : i32
      %dma_wait3A_171 = tpu.memref_slice %arg14[%add3A_18, %dma_wait3A_170] : memref<10240x128xf32, #tpu.memory_space<vmem_shared>> -> memref<40x128xf32, #tpu.memory_space<vmem_shared>>
      %dma_wait3A_172 = arith.constant 0 : i32
      %dma_wait3A_173 = tpu.memref_slice %arg14[%add3A_18, %dma_wait3A_172] : memref<10240x128xf32, #tpu.memory_space<vmem_shared>> -> memref<40x128xf32, #tpu.memory_space<vmem_shared>>
      tpu.wait_dma2 semaphore(%run_scoped3A : memref<!tpu.dma_semaphore, #tpu.memory_space<semaphore_mem>>) src(%arg9 : memref<40x128xf32, #tpu.memory_space<vmem>>) dst(%dma_wait3A_173 : memref<40x128xf32, #tpu.memory_space<vmem_shared>>)
      tpu.yield
    }) : () -> ()
    %mul3A_19 = arith.constant 640 : i32
    %mul3A_20 = arith.muli %arg1, %mul3A_19 : i32
    %add3A_21 = arith.constant 120 : i32
    %add3A_22 = arith.addi %mul3A_20, %add3A_21 : i32
    "tpu.region"() ({
      %run_scoped3A = tpu.sem_alloc : memref<!tpu.dma_semaphore, #tpu.memory_space<semaphore_mem>>
      %dma_start3A_166 = arith.constant 0 : i32
      %dma_start3A_167 = tpu.memref_slice %arg14[%add3A_22, %dma_start3A_166] : memref<10240x128xf32, #tpu.memory_space<vmem_shared>> -> memref<40x128xf32, #tpu.memory_space<vmem_shared>>
      %dma_start3A_168 = arith.constant 0 : i32
      %dma_start3A_169 = tpu.memref_slice %arg14[%add3A_22, %dma_start3A_168] : memref<10240x128xf32, #tpu.memory_space<vmem_shared>> -> memref<40x128xf32, #tpu.memory_space<vmem_shared>>
      tpu.enqueue_dma source(%arg9 : memref<40x128xf32, #tpu.memory_space<vmem>>) target(%dma_start3A_169 : memref<40x128xf32, #tpu.memory_space<vmem_shared>>) target_semaphore(%run_scoped3A : memref<!tpu.dma_semaphore, #tpu.memory_space<semaphore_mem>>)
      %dma_wait3A_170 = arith.constant 0 : i32
      %dma_wait3A_171 = tpu.memref_slice %arg14[%add3A_22, %dma_wait3A_170] : memref<10240x128xf32, #tpu.memory_space<vmem_shared>> -> memref<40x128xf32, #tpu.memory_space<vmem_shared>>
      %dma_wait3A_172 = arith.constant 0 : i32
      %dma_wait3A_173 = tpu.memref_slice %arg14[%add3A_22, %dma_wait3A_172] : memref<10240x128xf32, #tpu.memory_space<vmem_shared>> -> memref<40x128xf32, #tpu.memory_space<vmem_shared>>
      tpu.wait_dma2 semaphore(%run_scoped3A : memref<!tpu.dma_semaphore, #tpu.memory_space<semaphore_mem>>) src(%arg9 : memref<40x128xf32, #tpu.memory_space<vmem>>) dst(%dma_wait3A_173 : memref<40x128xf32, #tpu.memory_space<vmem_shared>>)
      tpu.yield
    }) : () -> ()
    %mul3A_23 = arith.constant 640 : i32
    %mul3A_24 = arith.muli %arg1, %mul3A_23 : i32
    %add3A_25 = arith.constant 160 : i32
    %add3A_26 = arith.addi %mul3A_24, %add3A_25 : i32
    "tpu.region"() ({
      %run_scoped3A = tpu.sem_alloc : memref<!tpu.dma_semaphore, #tpu.memory_space<semaphore_mem>>
      %dma_start3A_166 = arith.constant 0 : i32
      %dma_start3A_167 = tpu.memref_slice %arg14[%add3A_26, %dma_start3A_166] : memref<10240x128xf32, #tpu.memory_space<vmem_shared>> -> memref<40x128xf32, #tpu.memory_space<vmem_shared>>
      %dma_start3A_168 = arith.constant 0 : i32
      %dma_start3A_169 = tpu.memref_slice %arg14[%add3A_26, %dma_start3A_168] : memref<10240x128xf32, #tpu.memory_space<vmem_shared>> -> memref<40x128xf32, #tpu.memory_space<vmem_shared>>
      tpu.enqueue_dma source(%arg9 : memref<40x128xf32, #tpu.memory_space<vmem>>) target(%dma_start3A_169 : memref<40x128xf32, #tpu.memory_space<vmem_shared>>) target_semaphore(%run_scoped3A : memref<!tpu.dma_semaphore, #tpu.memory_space<semaphore_mem>>)
      %dma_wait3A_170 = arith.constant 0 : i32
      %dma_wait3A_171 = tpu.memref_slice %arg14[%add3A_26, %dma_wait3A_170] : memref<10240x128xf32, #tpu.memory_space<vmem_shared>> -> memref<40x128xf32, #tpu.memory_space<vmem_shared>>
      %dma_wait3A_172 = arith.constant 0 : i32
      %dma_wait3A_173 = tpu.memref_slice %arg14[%add3A_26, %dma_wait3A_172] : memref<10240x128xf32, #tpu.memory_space<vmem_shared>> -> memref<40x128xf32, #tpu.memory_space<vmem_shared>>
      tpu.wait_dma2 semaphore(%run_scoped3A : memref<!tpu.dma_semaphore, #tpu.memory_space<semaphore_mem>>) src(%arg9 : memref<40x128xf32, #tpu.memory_space<vmem>>) dst(%dma_wait3A_173 : memref<40x128xf32, #tpu.memory_space<vmem_shared>>)
      tpu.yield
    }) : () -> ()
    %mul3A_27 = arith.constant 640 : i32
    %mul3A_28 = arith.muli %arg1, %mul3A_27 : i32
    %add3A_29 = arith.constant 200 : i32
    %add3A_30 = arith.addi %mul3A_28, %add3A_29 : i32
    "tpu.region"() ({
      %run_scoped3A = tpu.sem_alloc : memref<!tpu.dma_semaphore, #tpu.memory_space<semaphore_mem>>
      %dma_start3A_166 = arith.constant 0 : i32
      %dma_start3A_167 = tpu.memref_slice %arg14[%add3A_30, %dma_start3A_166] : memref<10240x128xf32, #tpu.memory_space<vmem_shared>> -> memref<40x128xf32, #tpu.memory_space<vmem_shared>>
      %dma_start3A_168 = arith.constant 0 : i32
      %dma_start3A_169 = tpu.memref_slice %arg14[%add3A_30, %dma_start3A_168] : memref<10240x128xf32, #tpu.memory_space<vmem_shared>> -> memref<40x128xf32, #tpu.memory_space<vmem_shared>>
      tpu.enqueue_dma source(%arg9 : memref<40x128xf32, #tpu.memory_space<vmem>>) target(%dma_start3A_169 : memref<40x128xf32, #tpu.memory_space<vmem_shared>>) target_semaphore(%run_scoped3A : memref<!tpu.dma_semaphore, #tpu.memory_space<semaphore_mem>>)
      %dma_wait3A_170 = arith.constant 0 : i32
      %dma_wait3A_171 = tpu.memref_slice %arg14[%add3A_30, %dma_wait3A_170] : memref<10240x128xf32, #tpu.memory_space<vmem_shared>> -> memref<40x128xf32, #tpu.memory_space<vmem_shared>>
      %dma_wait3A_172 = arith.constant 0 : i32
      %dma_wait3A_173 = tpu.memref_slice %arg14[%add3A_30, %dma_wait3A_172] : memref<10240x128xf32, #tpu.memory_space<vmem_shared>> -> memref<40x128xf32, #tpu.memory_space<vmem_shared>>
      tpu.wait_dma2 semaphore(%run_scoped3A : memref<!tpu.dma_semaphore, #tpu.memory_space<semaphore_mem>>) src(%arg9 : memref<40x128xf32, #tpu.memory_space<vmem>>) dst(%dma_wait3A_173 : memref<40x128xf32, #tpu.memory_space<vmem_shared>>)
      tpu.yield
    }) : () -> ()
    %mul3A_31 = arith.constant 640 : i32
    %mul3A_32 = arith.muli %arg1, %mul3A_31 : i32
    %add3A_33 = arith.constant 240 : i32
    %add3A_34 = arith.addi %mul3A_32, %add3A_33 : i32
    "tpu.region"() ({
      %run_scoped3A = tpu.sem_alloc : memref<!tpu.dma_semaphore, #tpu.memory_space<semaphore_mem>>
      %dma_start3A_166 = arith.constant 0 : i32
      %dma_start3A_167 = tpu.memref_slice %arg14[%add3A_34, %dma_start3A_166] : memref<10240x128xf32, #tpu.memory_space<vmem_shared>> -> memref<40x128xf32, #tpu.memory_space<vmem_shared>>
      %dma_start3A_168 = arith.constant 0 : i32
      %dma_start3A_169 = tpu.memref_slice %arg14[%add3A_34, %dma_start3A_168] : memref<10240x128xf32, #tpu.memory_space<vmem_shared>> -> memref<40x128xf32, #tpu.memory_space<vmem_shared>>
      tpu.enqueue_dma source(%arg9 : memref<40x128xf32, #tpu.memory_space<vmem>>) target(%dma_start3A_169 : memref<40x128xf32, #tpu.memory_space<vmem_shared>>) target_semaphore(%run_scoped3A : memref<!tpu.dma_semaphore, #tpu.memory_space<semaphore_mem>>)
      %dma_wait3A_170 = arith.constant 0 : i32
      %dma_wait3A_171 = tpu.memref_slice %arg14[%add3A_34, %dma_wait3A_170] : memref<10240x128xf32, #tpu.memory_space<vmem_shared>> -> memref<40x128xf32, #tpu.memory_space<vmem_shared>>
      %dma_wait3A_172 = arith.constant 0 : i32
      %dma_wait3A_173 = tpu.memref_slice %arg14[%add3A_34, %dma_wait3A_172] : memref<10240x128xf32, #tpu.memory_space<vmem_shared>> -> memref<40x128xf32, #tpu.memory_space<vmem_shared>>
      tpu.wait_dma2 semaphore(%run_scoped3A : memref<!tpu.dma_semaphore, #tpu.memory_space<semaphore_mem>>) src(%arg9 : memref<40x128xf32, #tpu.memory_space<vmem>>) dst(%dma_wait3A_173 : memref<40x128xf32, #tpu.memory_space<vmem_shared>>)
      tpu.yield
    }) : () -> ()
    %mul3A_35 = arith.constant 640 : i32
    %mul3A_36 = arith.muli %arg1, %mul3A_35 : i32
    %add3A_37 = arith.constant 280 : i32
    %add3A_38 = arith.addi %mul3A_36, %add3A_37 : i32
    "tpu.region"() ({
      %run_scoped3A = tpu.sem_alloc : memref<!tpu.dma_semaphore, #tpu.memory_space<semaphore_mem>>
      %dma_start3A_166 = arith.constant 0 : i32
      %dma_start3A_167 = tpu.memref_slice %arg14[%add3A_38, %dma_start3A_166] : memref<10240x128xf32, #tpu.memory_space<vmem_shared>> -> memref<40x128xf32, #tpu.memory_space<vmem_shared>>
      %dma_start3A_168 = arith.constant 0 : i32
      %dma_start3A_169 = tpu.memref_slice %arg14[%add3A_38, %dma_start3A_168] : memref<10240x128xf32, #tpu.memory_space<vmem_shared>> -> memref<40x128xf32, #tpu.memory_space<vmem_shared>>
      tpu.enqueue_dma source(%arg9 : memref<40x128xf32, #tpu.memory_space<vmem>>) target(%dma_start3A_169 : memref<40x128xf32, #tpu.memory_space<vmem_shared>>) target_semaphore(%run_scoped3A : memref<!tpu.dma_semaphore, #tpu.memory_space<semaphore_mem>>)
      %dma_wait3A_170 = arith.constant 0 : i32
      %dma_wait3A_171 = tpu.memref_slice %arg14[%add3A_38, %dma_wait3A_170] : memref<10240x128xf32, #tpu.memory_space<vmem_shared>> -> memref<40x128xf32, #tpu.memory_space<vmem_shared>>
      %dma_wait3A_172 = arith.constant 0 : i32
      %dma_wait3A_173 = tpu.memref_slice %arg14[%add3A_38, %dma_wait3A_172] : memref<10240x128xf32, #tpu.memory_space<vmem_shared>> -> memref<40x128xf32, #tpu.memory_space<vmem_shared>>
      tpu.wait_dma2 semaphore(%run_scoped3A : memref<!tpu.dma_semaphore, #tpu.memory_space<semaphore_mem>>) src(%arg9 : memref<40x128xf32, #tpu.memory_space<vmem>>) dst(%dma_wait3A_173 : memref<40x128xf32, #tpu.memory_space<vmem_shared>>)
      tpu.yield
    }) : () -> ()
    %mul3A_39 = arith.constant 640 : i32
    %mul3A_40 = arith.muli %arg1, %mul3A_39 : i32
    %add3A_41 = arith.constant 320 : i32
    %add3A_42 = arith.addi %mul3A_40, %add3A_41 : i32
    "tpu.region"() ({
      %run_scoped3A = tpu.sem_alloc : memref<!tpu.dma_semaphore, #tpu.memory_space<semaphore_mem>>
      %dma_start3A_166 = arith.constant 0 : i32
      %dma_start3A_167 = tpu.memref_slice %arg14[%add3A_42, %dma_start3A_166] : memref<10240x128xf32, #tpu.memory_space<vmem_shared>> -> memref<40x128xf32, #tpu.memory_space<vmem_shared>>
      %dma_start3A_168 = arith.constant 0 : i32
      %dma_start3A_169 = tpu.memref_slice %arg14[%add3A_42, %dma_start3A_168] : memref<10240x128xf32, #tpu.memory_space<vmem_shared>> -> memref<40x128xf32, #tpu.memory_space<vmem_shared>>
      tpu.enqueue_dma source(%arg9 : memref<40x128xf32, #tpu.memory_space<vmem>>) target(%dma_start3A_169 : memref<40x128xf32, #tpu.memory_space<vmem_shared>>) target_semaphore(%run_scoped3A : memref<!tpu.dma_semaphore, #tpu.memory_space<semaphore_mem>>)
      %dma_wait3A_170 = arith.constant 0 : i32
      %dma_wait3A_171 = tpu.memref_slice %arg14[%add3A_42, %dma_wait3A_170] : memref<10240x128xf32, #tpu.memory_space<vmem_shared>> -> memref<40x128xf32, #tpu.memory_space<vmem_shared>>
      %dma_wait3A_172 = arith.constant 0 : i32
      %dma_wait3A_173 = tpu.memref_slice %arg14[%add3A_42, %dma_wait3A_172] : memref<10240x128xf32, #tpu.memory_space<vmem_shared>> -> memref<40x128xf32, #tpu.memory_space<vmem_shared>>
      tpu.wait_dma2 semaphore(%run_scoped3A : memref<!tpu.dma_semaphore, #tpu.memory_space<semaphore_mem>>) src(%arg9 : memref<40x128xf32, #tpu.memory_space<vmem>>) dst(%dma_wait3A_173 : memref<40x128xf32, #tpu.memory_space<vmem_shared>>)
      tpu.yield
    }) : () -> ()
    %mul3A_43 = arith.constant 640 : i32
    %mul3A_44 = arith.muli %arg1, %mul3A_43 : i32
    %add3A_45 = arith.constant 360 : i32
    %add3A_46 = arith.addi %mul3A_44, %add3A_45 : i32
    "tpu.region"() ({
      %run_scoped3A = tpu.sem_alloc : memref<!tpu.dma_semaphore, #tpu.memory_space<semaphore_mem>>
      %dma_start3A_166 = arith.constant 0 : i32
      %dma_start3A_167 = tpu.memref_slice %arg14[%add3A_46, %dma_start3A_166] : memref<10240x128xf32, #tpu.memory_space<vmem_shared>> -> memref<40x128xf32, #tpu.memory_space<vmem_shared>>
      %dma_start3A_168 = arith.constant 0 : i32
      %dma_start3A_169 = tpu.memref_slice %arg14[%add3A_46, %dma_start3A_168] : memref<10240x128xf32, #tpu.memory_space<vmem_shared>> -> memref<40x128xf32, #tpu.memory_space<vmem_shared>>
      tpu.enqueue_dma source(%arg9 : memref<40x128xf32, #tpu.memory_space<vmem>>) target(%dma_start3A_169 : memref<40x128xf32, #tpu.memory_space<vmem_shared>>) target_semaphore(%run_scoped3A : memref<!tpu.dma_semaphore, #tpu.memory_space<semaphore_mem>>)
      %dma_wait3A_170 = arith.constant 0 : i32
      %dma_wait3A_171 = tpu.memref_slice %arg14[%add3A_46, %dma_wait3A_170] : memref<10240x128xf32, #tpu.memory_space<vmem_shared>> -> memref<40x128xf32, #tpu.memory_space<vmem_shared>>
      %dma_wait3A_172 = arith.constant 0 : i32
      %dma_wait3A_173 = tpu.memref_slice %arg14[%add3A_46, %dma_wait3A_172] : memref<10240x128xf32, #tpu.memory_space<vmem_shared>> -> memref<40x128xf32, #tpu.memory_space<vmem_shared>>
      tpu.wait_dma2 semaphore(%run_scoped3A : memref<!tpu.dma_semaphore, #tpu.memory_space<semaphore_mem>>) src(%arg9 : memref<40x128xf32, #tpu.memory_space<vmem>>) dst(%dma_wait3A_173 : memref<40x128xf32, #tpu.memory_space<vmem_shared>>)
      tpu.yield
    }) : () -> ()
    %mul3A_47 = arith.constant 640 : i32
    %mul3A_48 = arith.muli %arg1, %mul3A_47 : i32
    %add3A_49 = arith.constant 400 : i32
    %add3A_50 = arith.addi %mul3A_48, %add3A_49 : i32
    "tpu.region"() ({
      %run_scoped3A = tpu.sem_alloc : memref<!tpu.dma_semaphore, #tpu.memory_space<semaphore_mem>>
      %dma_start3A_166 = arith.constant 0 : i32
      %dma_start3A_167 = tpu.memref_slice %arg14[%add3A_50, %dma_start3A_166] : memref<10240x128xf32, #tpu.memory_space<vmem_shared>> -> memref<40x128xf32, #tpu.memory_space<vmem_shared>>
      %dma_start3A_168 = arith.constant 0 : i32
      %dma_start3A_169 = tpu.memref_slice %arg14[%add3A_50, %dma_start3A_168] : memref<10240x128xf32, #tpu.memory_space<vmem_shared>> -> memref<40x128xf32, #tpu.memory_space<vmem_shared>>
      tpu.enqueue_dma source(%arg9 : memref<40x128xf32, #tpu.memory_space<vmem>>) target(%dma_start3A_169 : memref<40x128xf32, #tpu.memory_space<vmem_shared>>) target_semaphore(%run_scoped3A : memref<!tpu.dma_semaphore, #tpu.memory_space<semaphore_mem>>)
      %dma_wait3A_170 = arith.constant 0 : i32
      %dma_wait3A_171 = tpu.memref_slice %arg14[%add3A_50, %dma_wait3A_170] : memref<10240x128xf32, #tpu.memory_space<vmem_shared>> -> memref<40x128xf32, #tpu.memory_space<vmem_shared>>
      %dma_wait3A_172 = arith.constant 0 : i32
      %dma_wait3A_173 = tpu.memref_slice %arg14[%add3A_50, %dma_wait3A_172] : memref<10240x128xf32, #tpu.memory_space<vmem_shared>> -> memref<40x128xf32, #tpu.memory_space<vmem_shared>>
      tpu.wait_dma2 semaphore(%run_scoped3A : memref<!tpu.dma_semaphore, #tpu.memory_space<semaphore_mem>>) src(%arg9 : memref<40x128xf32, #tpu.memory_space<vmem>>) dst(%dma_wait3A_173 : memref<40x128xf32, #tpu.memory_space<vmem_shared>>)
      tpu.yield
    }) : () -> ()
    %mul3A_51 = arith.constant 640 : i32
    %mul3A_52 = arith.muli %arg1, %mul3A_51 : i32
    %add3A_53 = arith.constant 440 : i32
    %add3A_54 = arith.addi %mul3A_52, %add3A_53 : i32
    "tpu.region"() ({
      %run_scoped3A = tpu.sem_alloc : memref<!tpu.dma_semaphore, #tpu.memory_space<semaphore_mem>>
      %dma_start3A_166 = arith.constant 0 : i32
      %dma_start3A_167 = tpu.memref_slice %arg14[%add3A_54, %dma_start3A_166] : memref<10240x128xf32, #tpu.memory_space<vmem_shared>> -> memref<40x128xf32, #tpu.memory_space<vmem_shared>>
      %dma_start3A_168 = arith.constant 0 : i32
      %dma_start3A_169 = tpu.memref_slice %arg14[%add3A_54, %dma_start3A_168] : memref<10240x128xf32, #tpu.memory_space<vmem_shared>> -> memref<40x128xf32, #tpu.memory_space<vmem_shared>>
      tpu.enqueue_dma source(%arg9 : memref<40x128xf32, #tpu.memory_space<vmem>>) target(%dma_start3A_169 : memref<40x128xf32, #tpu.memory_space<vmem_shared>>) target_semaphore(%run_scoped3A : memref<!tpu.dma_semaphore, #tpu.memory_space<semaphore_mem>>)
      %dma_wait3A_170 = arith.constant 0 : i32
      %dma_wait3A_171 = tpu.memref_slice %arg14[%add3A_54, %dma_wait3A_170] : memref<10240x128xf32, #tpu.memory_space<vmem_shared>> -> memref<40x128xf32, #tpu.memory_space<vmem_shared>>
      %dma_wait3A_172 = arith.constant 0 : i32
      %dma_wait3A_173 = tpu.memref_slice %arg14[%add3A_54, %dma_wait3A_172] : memref<10240x128xf32, #tpu.memory_space<vmem_shared>> -> memref<40x128xf32, #tpu.memory_space<vmem_shared>>
      tpu.wait_dma2 semaphore(%run_scoped3A : memref<!tpu.dma_semaphore, #tpu.memory_space<semaphore_mem>>) src(%arg9 : memref<40x128xf32, #tpu.memory_space<vmem>>) dst(%dma_wait3A_173 : memref<40x128xf32, #tpu.memory_space<vmem_shared>>)
      tpu.yield
    }) : () -> ()
    %mul3A_55 = arith.constant 640 : i32
    %mul3A_56 = arith.muli %arg1, %mul3A_55 : i32
    %add3A_57 = arith.constant 480 : i32
    %add3A_58 = arith.addi %mul3A_56, %add3A_57 : i32
    "tpu.region"() ({
      %run_scoped3A = tpu.sem_alloc : memref<!tpu.dma_semaphore, #tpu.memory_space<semaphore_mem>>
      %dma_start3A_166 = arith.constant 0 : i32
      %dma_start3A_167 = tpu.memref_slice %arg14[%add3A_58, %dma_start3A_166] : memref<10240x128xf32, #tpu.memory_space<vmem_shared>> -> memref<40x128xf32, #tpu.memory_space<vmem_shared>>
      %dma_start3A_168 = arith.constant 0 : i32
      %dma_start3A_169 = tpu.memref_slice %arg14[%add3A_58, %dma_start3A_168] : memref<10240x128xf32, #tpu.memory_space<vmem_shared>> -> memref<40x128xf32, #tpu.memory_space<vmem_shared>>
      tpu.enqueue_dma source(%arg9 : memref<40x128xf32, #tpu.memory_space<vmem>>) target(%dma_start3A_169 : memref<40x128xf32, #tpu.memory_space<vmem_shared>>) target_semaphore(%run_scoped3A : memref<!tpu.dma_semaphore, #tpu.memory_space<semaphore_mem>>)
      %dma_wait3A_170 = arith.constant 0 : i32
      %dma_wait3A_171 = tpu.memref_slice %arg14[%add3A_58, %dma_wait3A_170] : memref<10240x128xf32, #tpu.memory_space<vmem_shared>> -> memref<40x128xf32, #tpu.memory_space<vmem_shared>>
      %dma_wait3A_172 = arith.constant 0 : i32
      %dma_wait3A_173 = tpu.memref_slice %arg14[%add3A_58, %dma_wait3A_172] : memref<10240x128xf32, #tpu.memory_space<vmem_shared>> -> memref<40x128xf32, #tpu.memory_space<vmem_shared>>
      tpu.wait_dma2 semaphore(%run_scoped3A : memref<!tpu.dma_semaphore, #tpu.memory_space<semaphore_mem>>) src(%arg9 : memref<40x128xf32, #tpu.memory_space<vmem>>) dst(%dma_wait3A_173 : memref<40x128xf32, #tpu.memory_space<vmem_shared>>)
      tpu.yield
    }) : () -> ()
    %mul3A_59 = arith.constant 640 : i32
    %mul3A_60 = arith.muli %arg1, %mul3A_59 : i32
    %add3A_61 = arith.constant 520 : i32
    %add3A_62 = arith.addi %mul3A_60, %add3A_61 : i32
    "tpu.region"() ({
      %run_scoped3A = tpu.sem_alloc : memref<!tpu.dma_semaphore, #tpu.memory_space<semaphore_mem>>
      %dma_start3A_166 = arith.constant 0 : i32
      %dma_start3A_167 = tpu.memref_slice %arg14[%add3A_62, %dma_start3A_166] : memref<10240x128xf32, #tpu.memory_space<vmem_shared>> -> memref<40x128xf32, #tpu.memory_space<vmem_shared>>
      %dma_start3A_168 = arith.constant 0 : i32
      %dma_start3A_169 = tpu.memref_slice %arg14[%add3A_62, %dma_start3A_168] : memref<10240x128xf32, #tpu.memory_space<vmem_shared>> -> memref<40x128xf32, #tpu.memory_space<vmem_shared>>
      tpu.enqueue_dma source(%arg9 : memref<40x128xf32, #tpu.memory_space<vmem>>) target(%dma_start3A_169 : memref<40x128xf32, #tpu.memory_space<vmem_shared>>) target_semaphore(%run_scoped3A : memref<!tpu.dma_semaphore, #tpu.memory_space<semaphore_mem>>)
      %dma_wait3A_170 = arith.constant 0 : i32
      %dma_wait3A_171 = tpu.memref_slice %arg14[%add3A_62, %dma_wait3A_170] : memref<10240x128xf32, #tpu.memory_space<vmem_shared>> -> memref<40x128xf32, #tpu.memory_space<vmem_shared>>
      %dma_wait3A_172 = arith.constant 0 : i32
      %dma_wait3A_173 = tpu.memref_slice %arg14[%add3A_62, %dma_wait3A_172] : memref<10240x128xf32, #tpu.memory_space<vmem_shared>> -> memref<40x128xf32, #tpu.memory_space<vmem_shared>>
      tpu.wait_dma2 semaphore(%run_scoped3A : memref<!tpu.dma_semaphore, #tpu.memory_space<semaphore_mem>>) src(%arg9 : memref<40x128xf32, #tpu.memory_space<vmem>>) dst(%dma_wait3A_173 : memref<40x128xf32, #tpu.memory_space<vmem_shared>>)
      tpu.yield
    }) : () -> ()
    %mul3A_63 = arith.constant 640 : i32
    %mul3A_64 = arith.muli %arg1, %mul3A_63 : i32
    %add3A_65 = arith.constant 560 : i32
    %add3A_66 = arith.addi %mul3A_64, %add3A_65 : i32
    "tpu.region"() ({
      %run_scoped3A = tpu.sem_alloc : memref<!tpu.dma_semaphore, #tpu.memory_space<semaphore_mem>>
      %dma_start3A_166 = arith.constant 0 : i32
      %dma_start3A_167 = tpu.memref_slice %arg14[%add3A_66, %dma_start3A_166] : memref<10240x128xf32, #tpu.memory_space<vmem_shared>> -> memref<40x128xf32, #tpu.memory_space<vmem_shared>>
      %dma_start3A_168 = arith.constant 0 : i32
      %dma_start3A_169 = tpu.memref_slice %arg14[%add3A_66, %dma_start3A_168] : memref<10240x128xf32, #tpu.memory_space<vmem_shared>> -> memref<40x128xf32, #tpu.memory_space<vmem_shared>>
      tpu.enqueue_dma source(%arg9 : memref<40x128xf32, #tpu.memory_space<vmem>>) target(%dma_start3A_169 : memref<40x128xf32, #tpu.memory_space<vmem_shared>>) target_semaphore(%run_scoped3A : memref<!tpu.dma_semaphore, #tpu.memory_space<semaphore_mem>>)
      %dma_wait3A_170 = arith.constant 0 : i32
      %dma_wait3A_171 = tpu.memref_slice %arg14[%add3A_66, %dma_wait3A_170] : memref<10240x128xf32, #tpu.memory_space<vmem_shared>> -> memref<40x128xf32, #tpu.memory_space<vmem_shared>>
      %dma_wait3A_172 = arith.constant 0 : i32
      %dma_wait3A_173 = tpu.memref_slice %arg14[%add3A_66, %dma_wait3A_172] : memref<10240x128xf32, #tpu.memory_space<vmem_shared>> -> memref<40x128xf32, #tpu.memory_space<vmem_shared>>
      tpu.wait_dma2 semaphore(%run_scoped3A : memref<!tpu.dma_semaphore, #tpu.memory_space<semaphore_mem>>) src(%arg9 : memref<40x128xf32, #tpu.memory_space<vmem>>) dst(%dma_wait3A_173 : memref<40x128xf32, #tpu.memory_space<vmem_shared>>)
      tpu.yield
    }) : () -> ()
    %mul3A_67 = arith.constant 640 : i32
    %mul3A_68 = arith.muli %arg1, %mul3A_67 : i32
    %add3A_69 = arith.constant 600 : i32
    %add3A_70 = arith.addi %mul3A_68, %add3A_69 : i32
    "tpu.region"() ({
      %run_scoped3A = tpu.sem_alloc : memref<!tpu.dma_semaphore, #tpu.memory_space<semaphore_mem>>
      %dma_start3A_166 = arith.constant 0 : i32
      %dma_start3A_167 = tpu.memref_slice %arg14[%add3A_70, %dma_start3A_166] : memref<10240x128xf32, #tpu.memory_space<vmem_shared>> -> memref<40x128xf32, #tpu.memory_space<vmem_shared>>
      %dma_start3A_168 = arith.constant 0 : i32
      %dma_start3A_169 = tpu.memref_slice %arg14[%add3A_70, %dma_start3A_168] : memref<10240x128xf32, #tpu.memory_space<vmem_shared>> -> memref<40x128xf32, #tpu.memory_space<vmem_shared>>
      tpu.enqueue_dma source(%arg9 : memref<40x128xf32, #tpu.memory_space<vmem>>) target(%dma_start3A_169 : memref<40x128xf32, #tpu.memory_space<vmem_shared>>) target_semaphore(%run_scoped3A : memref<!tpu.dma_semaphore, #tpu.memory_space<semaphore_mem>>)
      %dma_wait3A_170 = arith.constant 0 : i32
      %dma_wait3A_171 = tpu.memref_slice %arg14[%add3A_70, %dma_wait3A_170] : memref<10240x128xf32, #tpu.memory_space<vmem_shared>> -> memref<40x128xf32, #tpu.memory_space<vmem_shared>>
      %dma_wait3A_172 = arith.constant 0 : i32
      %dma_wait3A_173 = tpu.memref_slice %arg14[%add3A_70, %dma_wait3A_172] : memref<10240x128xf32, #tpu.memory_space<vmem_shared>> -> memref<40x128xf32, #tpu.memory_space<vmem_shared>>
      tpu.wait_dma2 semaphore(%run_scoped3A : memref<!tpu.dma_semaphore, #tpu.memory_space<semaphore_mem>>) src(%arg9 : memref<40x128xf32, #tpu.memory_space<vmem>>) dst(%dma_wait3A_173 : memref<40x128xf32, #tpu.memory_space<vmem_shared>>)
      tpu.yield
    }) : () -> ()
    %mul3A_71 = arith.constant 10000 : i32
    %mul3A_72 = arith.muli %add3A, %mul3A_71 : i32
    "tpu.region"() ({
      %run_scoped3A = tpu.sem_alloc : memref<!tpu.dma_semaphore, #tpu.memory_space<semaphore_mem>>
      %dma_start3A_166 = tpu.memref_slice %arg3[%mul3A_72] : memref<320000xi32, #tpu.memory_space<hbm>> -> memref<10000xi32, #tpu.memory_space<hbm>>
      %dma_start3A_167 = tpu.memref_slice %arg3[%mul3A_72] : memref<320000xi32, #tpu.memory_space<hbm>> -> memref<10000xi32, #tpu.memory_space<hbm>>
      tpu.enqueue_dma source(%dma_start3A_167 : memref<10000xi32, #tpu.memory_space<hbm>>) target(%arg6 : memref<10000xi32, #tpu.memory_space<vmem>>) target_semaphore(%run_scoped3A : memref<!tpu.dma_semaphore, #tpu.memory_space<semaphore_mem>>)
      %dma_wait3A_168 = tpu.memref_slice %arg3[%mul3A_72] : memref<320000xi32, #tpu.memory_space<hbm>> -> memref<10000xi32, #tpu.memory_space<hbm>>
      %dma_wait3A_169 = tpu.memref_slice %arg3[%mul3A_72] : memref<320000xi32, #tpu.memory_space<hbm>> -> memref<10000xi32, #tpu.memory_space<hbm>>
      tpu.wait_dma2 semaphore(%run_scoped3A : memref<!tpu.dma_semaphore, #tpu.memory_space<semaphore_mem>>) src(%dma_wait3A_169 : memref<10000xi32, #tpu.memory_space<hbm>>) dst(%arg6 : memref<10000xi32, #tpu.memory_space<vmem>>)
      tpu.yield
    }) : () -> ()
    %mul3A_73 = arith.constant 10000 : i32
    %mul3A_74 = arith.muli %add3A, %mul3A_73 : i32
    %add3A_75 = arith.constant 320000 : i32
    %add3A_76 = arith.addi %add3A_75, %mul3A_74 : i32
    "tpu.region"() ({
      %run_scoped3A = tpu.sem_alloc : memref<!tpu.dma_semaphore, #tpu.memory_space<semaphore_mem>>
      %dma_start3A_166 = tpu.memref_slice %arg2[%add3A_76] : memref<640000xi32, #tpu.memory_space<hbm>> -> memref<10000xi32, #tpu.memory_space<hbm>>
      %dma_start3A_167 = tpu.memref_slice %arg2[%add3A_76] : memref<640000xi32, #tpu.memory_space<hbm>> -> memref<10000xi32, #tpu.memory_space<hbm>>
      tpu.enqueue_dma source(%dma_start3A_167 : memref<10000xi32, #tpu.memory_space<hbm>>) target(%arg8 : memref<10000xi32, #tpu.memory_space<vmem>>) target_semaphore(%run_scoped3A : memref<!tpu.dma_semaphore, #tpu.memory_space<semaphore_mem>>)
      %dma_wait3A_168 = tpu.memref_slice %arg2[%add3A_76] : memref<640000xi32, #tpu.memory_space<hbm>> -> memref<10000xi32, #tpu.memory_space<hbm>>
      %dma_wait3A_169 = tpu.memref_slice %arg2[%add3A_76] : memref<640000xi32, #tpu.memory_space<hbm>> -> memref<10000xi32, #tpu.memory_space<hbm>>
      tpu.wait_dma2 semaphore(%run_scoped3A : memref<!tpu.dma_semaphore, #tpu.memory_space<semaphore_mem>>) src(%dma_wait3A_169 : memref<10000xi32, #tpu.memory_space<hbm>>) dst(%arg8 : memref<10000xi32, #tpu.memory_space<vmem>>)
      tpu.yield
    }) : () -> ()
    %mul3A_77 = arith.constant 10000 : i32
    %mul3A_78 = arith.muli %add3A, %mul3A_77 : i32
    %add3A_79 = arith.constant 0 : i32
    %add3A_80 = arith.addi %mul3A_78, %add3A_79 : i32
    "tpu.region"() ({
      %run_scoped3A = tpu.sem_alloc : memref<!tpu.dma_semaphore, #tpu.memory_space<semaphore_mem>>
      %dma_start3A_166 = tpu.memref_slice %arg2[%add3A_80] : memref<640000xi32, #tpu.memory_space<hbm>> -> memref<2000xi32, #tpu.memory_space<hbm>>
      %dma_start3A_167 = tpu.memref_slice %arg2[%add3A_80] : memref<640000xi32, #tpu.memory_space<hbm>> -> memref<2000xi32, #tpu.memory_space<hbm>>
      tpu.enqueue_dma source(%dma_start3A_167 : memref<2000xi32, #tpu.memory_space<hbm>>) target(%arg7 : memref<2000xi32, #tpu.memory_space<vmem>>) target_semaphore(%run_scoped3A : memref<!tpu.dma_semaphore, #tpu.memory_space<semaphore_mem>>)
      %dma_wait3A_168 = tpu.memref_slice %arg2[%add3A_80] : memref<640000xi32, #tpu.memory_space<hbm>> -> memref<2000xi32, #tpu.memory_space<hbm>>
      %dma_wait3A_169 = tpu.memref_slice %arg2[%add3A_80] : memref<640000xi32, #tpu.memory_space<hbm>> -> memref<2000xi32, #tpu.memory_space<hbm>>
      tpu.wait_dma2 semaphore(%run_scoped3A : memref<!tpu.dma_semaphore, #tpu.memory_space<semaphore_mem>>) src(%dma_wait3A_169 : memref<2000xi32, #tpu.memory_space<hbm>>) dst(%arg7 : memref<2000xi32, #tpu.memory_space<vmem>>)
      tpu.yield
    }) : () -> ()
    %scan3A_81 = arith.constant 0 : i32
    %scan3A_82 = arith.constant 0 : i32
    %scan3A_83 = arith.constant 125 : i32
    %scan3A_84 = arith.addi %scan3A_82, %scan3A_83 : i32
    %scan3A_85 = arith.constant 1 : i32
    scf.for %scan3A_166 = %scan3A_82 to %scan3A_84 step %scan3A_85  : i32 {
      %mul3A_167 = arith.constant 16 : i32
      %mul3A_168 = arith.muli %scan3A_166, %mul3A_167 : i32
      %add3A_169 = arith.constant 0 : i32
      %add3A_170 = arith.addi %add3A_169, %mul3A_168 : i32
      %get3A = arith.index_cast %add3A_170 : i32 to index
      %get3A_171 = tpu.vector_load %arg6[%get3A] {strides = array<i32>} : memref<10000xi32, #tpu.memory_space<vmem>>, vector<16xi32>,
      %get3A_172 = vector.shape_cast %get3A_171 : vector<16xi32> to vector<16xi32>
      %mul3A_173 = arith.constant 10000 : i32
      %mul3A_174 = vector.broadcast %mul3A_173 : i32 to vector<16xi32>
      %mul3A_175 = arith.muli %get3A_172, %mul3A_174 : vector<16xi32>
      %mul3A_176 = arith.constant 16 : i32
      %mul3A_177 = arith.muli %scan3A_166, %mul3A_176 : i32
      %get3A_178 = arith.index_cast %mul3A_177 : i32 to index
      %get3A_179 = tpu.vector_load %arg7[%get3A_178] {strides = array<i32>} : memref<2000xi32, #tpu.memory_space<vmem>>, vector<16xi32>,
      %get3A_180 = vector.shape_cast %get3A_179 : vector<16xi32> to vector<16xi32>
      %add3A_181 = arith.addi %mul3A_175, %get3A_180 : vector<16xi32>
      %swap3A = arith.index_cast %add3A_170 : i32 to index
      %swap3A_182 = tpu.vector_load %arg6[%swap3A] {strides = array<i32>} : memref<10000xi32, #tpu.memory_space<vmem>>, vector<16xi32>,
      %swap3A_183 = vector.shape_cast %swap3A_182 : vector<16xi32> to vector<16xi32>
      %swap3A_184 = vector.shape_cast %add3A_181 : vector<16xi32> to vector<16xi32>
      tpu.vector_store %arg6[%swap3A], %swap3A_184 {strides = array<i32>} : memref<10000xi32, #tpu.memory_space<vmem>>, vector<16xi32>,
    }
    %scan3A_86 = arith.constant 125 : i32
    %mul3A_87 = arith.constant 10000 : i32
    %mul3A_88 = arith.muli %add3A, %mul3A_87 : i32
    %add3A_89 = arith.constant 2000 : i32
    %add3A_90 = arith.addi %mul3A_88, %add3A_89 : i32
    "tpu.region"() ({
      %run_scoped3A = tpu.sem_alloc : memref<!tpu.dma_semaphore, #tpu.memory_space<semaphore_mem>>
      %dma_start3A_166 = tpu.memref_slice %arg2[%add3A_90] : memref<640000xi32, #tpu.memory_space<hbm>> -> memref<2000xi32, #tpu.memory_space<hbm>>
      %dma_start3A_167 = tpu.memref_slice %arg2[%add3A_90] : memref<640000xi32, #tpu.memory_space<hbm>> -> memref<2000xi32, #tpu.memory_space<hbm>>
      tpu.enqueue_dma source(%dma_start3A_167 : memref<2000xi32, #tpu.memory_space<hbm>>) target(%arg7 : memref<2000xi32, #tpu.memory_space<vmem>>) target_semaphore(%run_scoped3A : memref<!tpu.dma_semaphore, #tpu.memory_space<semaphore_mem>>)
      %dma_wait3A_168 = tpu.memref_slice %arg2[%add3A_90] : memref<640000xi32, #tpu.memory_space<hbm>> -> memref<2000xi32, #tpu.memory_space<hbm>>
      %dma_wait3A_169 = tpu.memref_slice %arg2[%add3A_90] : memref<640000xi32, #tpu.memory_space<hbm>> -> memref<2000xi32, #tpu.memory_space<hbm>>
      tpu.wait_dma2 semaphore(%run_scoped3A : memref<!tpu.dma_semaphore, #tpu.memory_space<semaphore_mem>>) src(%dma_wait3A_169 : memref<2000xi32, #tpu.memory_space<hbm>>) dst(%arg7 : memref<2000xi32, #tpu.memory_space<vmem>>)
      tpu.yield
    }) : () -> ()
    %scan3A_91 = arith.constant 0 : i32
    %scan3A_92 = arith.constant 0 : i32
    %scan3A_93 = arith.constant 125 : i32
    %scan3A_94 = arith.addi %scan3A_92, %scan3A_93 : i32
    %scan3A_95 = arith.constant 1 : i32
    scf.for %scan3A_166 = %scan3A_92 to %scan3A_94 step %scan3A_95  : i32 {
      %mul3A_167 = arith.constant 16 : i32
      %mul3A_168 = arith.muli %scan3A_166, %mul3A_167 : i32
      %add3A_169 = arith.constant 2000 : i32
      %add3A_170 = arith.addi %add3A_169, %mul3A_168 : i32
      %get3A = arith.index_cast %add3A_170 : i32 to index
      %get3A_171 = tpu.vector_load %arg6[%get3A] {strides = array<i32>} : memref<10000xi32, #tpu.memory_space<vmem>>, vector<16xi32>,
      %get3A_172 = vector.shape_cast %get3A_171 : vector<16xi32> to vector<16xi32>
      %mul3A_173 = arith.constant 10000 : i32
      %mul3A_174 = vector.broadcast %mul3A_173 : i32 to vector<16xi32>
      %mul3A_175 = arith.muli %get3A_172, %mul3A_174 : vector<16xi32>
      %mul3A_176 = arith.constant 16 : i32
      %mul3A_177 = arith.muli %scan3A_166, %mul3A_176 : i32
      %get3A_178 = arith.index_cast %mul3A_177 : i32 to index
      %get3A_179 = tpu.vector_load %arg7[%get3A_178] {strides = array<i32>} : memref<2000xi32, #tpu.memory_space<vmem>>, vector<16xi32>,
      %get3A_180 = vector.shape_cast %get3A_179 : vector<16xi32> to vector<16xi32>
      %add3A_181 = arith.addi %mul3A_175, %get3A_180 : vector<16xi32>
      %swap3A = arith.index_cast %add3A_170 : i32 to index
      %swap3A_182 = tpu.vector_load %arg6[%swap3A] {strides = array<i32>} : memref<10000xi32, #tpu.memory_space<vmem>>, vector<16xi32>,
      %swap3A_183 = vector.shape_cast %swap3A_182 : vector<16xi32> to vector<16xi32>
      %swap3A_184 = vector.shape_cast %add3A_181 : vector<16xi32> to vector<16xi32>
      tpu.vector_store %arg6[%swap3A], %swap3A_184 {strides = array<i32>} : memref<10000xi32, #tpu.memory_space<vmem>>, vector<16xi32>,
    }
    %scan3A_96 = arith.constant 125 : i32
    %mul3A_97 = arith.constant 10000 : i32
    %mul3A_98 = arith.muli %add3A, %mul3A_97 : i32
    %add3A_99 = arith.constant 4000 : i32
    %add3A_100 = arith.addi %mul3A_98, %add3A_99 : i32
    "tpu.region"() ({
      %run_scoped3A = tpu.sem_alloc : memref<!tpu.dma_semaphore, #tpu.memory_space<semaphore_mem>>
      %dma_start3A_166 = tpu.memref_slice %arg2[%add3A_100] : memref<640000xi32, #tpu.memory_space<hbm>> -> memref<2000xi32, #tpu.memory_space<hbm>>
      %dma_start3A_167 = tpu.memref_slice %arg2[%add3A_100] : memref<640000xi32, #tpu.memory_space<hbm>> -> memref<2000xi32, #tpu.memory_space<hbm>>
      tpu.enqueue_dma source(%dma_start3A_167 : memref<2000xi32, #tpu.memory_space<hbm>>) target(%arg7 : memref<2000xi32, #tpu.memory_space<vmem>>) target_semaphore(%run_scoped3A : memref<!tpu.dma_semaphore, #tpu.memory_space<semaphore_mem>>)
      %dma_wait3A_168 = tpu.memref_slice %arg2[%add3A_100] : memref<640000xi32, #tpu.memory_space<hbm>> -> memref<2000xi32, #tpu.memory_space<hbm>>
      %dma_wait3A_169 = tpu.memref_slice %arg2[%add3A_100] : memref<640000xi32, #tpu.memory_space<hbm>> -> memref<2000xi32, #tpu.memory_space<hbm>>
      tpu.wait_dma2 semaphore(%run_scoped3A : memref<!tpu.dma_semaphore, #tpu.memory_space<semaphore_mem>>) src(%dma_wait3A_169 : memref<2000xi32, #tpu.memory_space<hbm>>) dst(%arg7 : memref<2000xi32, #tpu.memory_space<vmem>>)
      tpu.yield
    }) : () -> ()
    %scan3A_101 = arith.constant 0 : i32
    %scan3A_102 = arith.constant 0 : i32
    %scan3A_103 = arith.constant 125 : i32
    %scan3A_104 = arith.addi %scan3A_102, %scan3A_103 : i32
    %scan3A_105 = arith.constant 1 : i32
    scf.for %scan3A_166 = %scan3A_102 to %scan3A_104 step %scan3A_105  : i32 {
      %mul3A_167 = arith.constant 16 : i32
      %mul3A_168 = arith.muli %scan3A_166, %mul3A_167 : i32
      %add3A_169 = arith.constant 4000 : i32
      %add3A_170 = arith.addi %add3A_169, %mul3A_168 : i32
      %get3A = arith.index_cast %add3A_170 : i32 to index
      %get3A_171 = tpu.vector_load %arg6[%get3A] {strides = array<i32>} : memref<10000xi32, #tpu.memory_space<vmem>>, vector<16xi32>,
      %get3A_172 = vector.shape_cast %get3A_171 : vector<16xi32> to vector<16xi32>
      %mul3A_173 = arith.constant 10000 : i32
      %mul3A_174 = vector.broadcast %mul3A_173 : i32 to vector<16xi32>
      %mul3A_175 = arith.muli %get3A_172, %mul3A_174 : vector<16xi32>
      %mul3A_176 = arith.constant 16 : i32
      %mul3A_177 = arith.muli %scan3A_166, %mul3A_176 : i32
      %get3A_178 = arith.index_cast %mul3A_177 : i32 to index
      %get3A_179 = tpu.vector_load %arg7[%get3A_178] {strides = array<i32>} : memref<2000xi32, #tpu.memory_space<vmem>>, vector<16xi32>,
      %get3A_180 = vector.shape_cast %get3A_179 : vector<16xi32> to vector<16xi32>
      %add3A_181 = arith.addi %mul3A_175, %get3A_180 : vector<16xi32>
      %swap3A = arith.index_cast %add3A_170 : i32 to index
      %swap3A_182 = tpu.vector_load %arg6[%swap3A] {strides = array<i32>} : memref<10000xi32, #tpu.memory_space<vmem>>, vector<16xi32>,
      %swap3A_183 = vector.shape_cast %swap3A_182 : vector<16xi32> to vector<16xi32>
      %swap3A_184 = vector.shape_cast %add3A_181 : vector<16xi32> to vector<16xi32>
      tpu.vector_store %arg6[%swap3A], %swap3A_184 {strides = array<i32>} : memref<10000xi32, #tpu.memory_space<vmem>>, vector<16xi32>,
    }
    %scan3A_106 = arith.constant 125 : i32
    %mul3A_107 = arith.constant 10000 : i32
    %mul3A_108 = arith.muli %add3A, %mul3A_107 : i32
    %add3A_109 = arith.constant 6000 : i32
    %add3A_110 = arith.addi %mul3A_108, %add3A_109 : i32
    "tpu.region"() ({
      %run_scoped3A = tpu.sem_alloc : memref<!tpu.dma_semaphore, #tpu.memory_space<semaphore_mem>>
      %dma_start3A_166 = tpu.memref_slice %arg2[%add3A_110] : memref<640000xi32, #tpu.memory_space<hbm>> -> memref<2000xi32, #tpu.memory_space<hbm>>
      %dma_start3A_167 = tpu.memref_slice %arg2[%add3A_110] : memref<640000xi32, #tpu.memory_space<hbm>> -> memref<2000xi32, #tpu.memory_space<hbm>>
      tpu.enqueue_dma source(%dma_start3A_167 : memref<2000xi32, #tpu.memory_space<hbm>>) target(%arg7 : memref<2000xi32, #tpu.memory_space<vmem>>) target_semaphore(%run_scoped3A : memref<!tpu.dma_semaphore, #tpu.memory_space<semaphore_mem>>)
      %dma_wait3A_168 = tpu.memref_slice %arg2[%add3A_110] : memref<640000xi32, #tpu.memory_space<hbm>> -> memref<2000xi32, #tpu.memory_space<hbm>>
      %dma_wait3A_169 = tpu.memref_slice %arg2[%add3A_110] : memref<640000xi32, #tpu.memory_space<hbm>> -> memref<2000xi32, #tpu.memory_space<hbm>>
      tpu.wait_dma2 semaphore(%run_scoped3A : memref<!tpu.dma_semaphore, #tpu.memory_space<semaphore_mem>>) src(%dma_wait3A_169 : memref<2000xi32, #tpu.memory_space<hbm>>) dst(%arg7 : memref<2000xi32, #tpu.memory_space<vmem>>)
      tpu.yield
    }) : () -> ()
    %scan3A_111 = arith.constant 0 : i32
    %scan3A_112 = arith.constant 0 : i32
    %scan3A_113 = arith.constant 125 : i32
    %scan3A_114 = arith.addi %scan3A_112, %scan3A_113 : i32
    %scan3A_115 = arith.constant 1 : i32
    scf.for %scan3A_166 = %scan3A_112 to %scan3A_114 step %scan3A_115  : i32 {
      %mul3A_167 = arith.constant 16 : i32
      %mul3A_168 = arith.muli %scan3A_166, %mul3A_167 : i32
      %add3A_169 = arith.constant 6000 : i32
      %add3A_170 = arith.addi %add3A_169, %mul3A_168 : i32
      %get3A = arith.index_cast %add3A_170 : i32 to index
      %get3A_171 = tpu.vector_load %arg6[%get3A] {strides = array<i32>} : memref<10000xi32, #tpu.memory_space<vmem>>, vector<16xi32>,
      %get3A_172 = vector.shape_cast %get3A_171 : vector<16xi32> to vector<16xi32>
      %mul3A_173 = arith.constant 10000 : i32
      %mul3A_174 = vector.broadcast %mul3A_173 : i32 to vector<16xi32>
      %mul3A_175 = arith.muli %get3A_172, %mul3A_174 : vector<16xi32>
      %mul3A_176 = arith.constant 16 : i32
      %mul3A_177 = arith.muli %scan3A_166, %mul3A_176 : i32
      %get3A_178 = arith.index_cast %mul3A_177 : i32 to index
      %get3A_179 = tpu.vector_load %arg7[%get3A_178] {strides = array<i32>} : memref<2000xi32, #tpu.memory_space<vmem>>, vector<16xi32>,
      %get3A_180 = vector.shape_cast %get3A_179 : vector<16xi32> to vector<16xi32>
      %add3A_181 = arith.addi %mul3A_175, %get3A_180 : vector<16xi32>
      %swap3A = arith.index_cast %add3A_170 : i32 to index
      %swap3A_182 = tpu.vector_load %arg6[%swap3A] {strides = array<i32>} : memref<10000xi32, #tpu.memory_space<vmem>>, vector<16xi32>,
      %swap3A_183 = vector.shape_cast %swap3A_182 : vector<16xi32> to vector<16xi32>
      %swap3A_184 = vector.shape_cast %add3A_181 : vector<16xi32> to vector<16xi32>
      tpu.vector_store %arg6[%swap3A], %swap3A_184 {strides = array<i32>} : memref<10000xi32, #tpu.memory_space<vmem>>, vector<16xi32>,
    }
    %scan3A_116 = arith.constant 125 : i32
    %mul3A_117 = arith.constant 10000 : i32
    %mul3A_118 = arith.muli %add3A, %mul3A_117 : i32
    %add3A_119 = arith.constant 8000 : i32
    %add3A_120 = arith.addi %mul3A_118, %add3A_119 : i32
    "tpu.region"() ({
      %run_scoped3A = tpu.sem_alloc : memref<!tpu.dma_semaphore, #tpu.memory_space<semaphore_mem>>
      %dma_start3A_166 = tpu.memref_slice %arg2[%add3A_120] : memref<640000xi32, #tpu.memory_space<hbm>> -> memref<2000xi32, #tpu.memory_space<hbm>>
      %dma_start3A_167 = tpu.memref_slice %arg2[%add3A_120] : memref<640000xi32, #tpu.memory_space<hbm>> -> memref<2000xi32, #tpu.memory_space<hbm>>
      tpu.enqueue_dma source(%dma_start3A_167 : memref<2000xi32, #tpu.memory_space<hbm>>) target(%arg7 : memref<2000xi32, #tpu.memory_space<vmem>>) target_semaphore(%run_scoped3A : memref<!tpu.dma_semaphore, #tpu.memory_space<semaphore_mem>>)
      %dma_wait3A_168 = tpu.memref_slice %arg2[%add3A_120] : memref<640000xi32, #tpu.memory_space<hbm>> -> memref<2000xi32, #tpu.memory_space<hbm>>
      %dma_wait3A_169 = tpu.memref_slice %arg2[%add3A_120] : memref<640000xi32, #tpu.memory_space<hbm>> -> memref<2000xi32, #tpu.memory_space<hbm>>
      tpu.wait_dma2 semaphore(%run_scoped3A : memref<!tpu.dma_semaphore, #tpu.memory_space<semaphore_mem>>) src(%dma_wait3A_169 : memref<2000xi32, #tpu.memory_space<hbm>>) dst(%arg7 : memref<2000xi32, #tpu.memory_space<vmem>>)
      tpu.yield
    }) : () -> ()
    %scan3A_121 = arith.constant 0 : i32
    %scan3A_122 = arith.constant 0 : i32
    %scan3A_123 = arith.constant 125 : i32
    %scan3A_124 = arith.addi %scan3A_122, %scan3A_123 : i32
    %scan3A_125 = arith.constant 1 : i32
    scf.for %scan3A_166 = %scan3A_122 to %scan3A_124 step %scan3A_125  : i32 {
      %mul3A_167 = arith.constant 16 : i32
      %mul3A_168 = arith.muli %scan3A_166, %mul3A_167 : i32
      %add3A_169 = arith.constant 8000 : i32
      %add3A_170 = arith.addi %add3A_169, %mul3A_168 : i32
      %get3A = arith.index_cast %add3A_170 : i32 to index
      %get3A_171 = tpu.vector_load %arg6[%get3A] {strides = array<i32>} : memref<10000xi32, #tpu.memory_space<vmem>>, vector<16xi32>,
      %get3A_172 = vector.shape_cast %get3A_171 : vector<16xi32> to vector<16xi32>
      %mul3A_173 = arith.constant 10000 : i32
      %mul3A_174 = vector.broadcast %mul3A_173 : i32 to vector<16xi32>
      %mul3A_175 = arith.muli %get3A_172, %mul3A_174 : vector<16xi32>
      %mul3A_176 = arith.constant 16 : i32
      %mul3A_177 = arith.muli %scan3A_166, %mul3A_176 : i32
      %get3A_178 = arith.index_cast %mul3A_177 : i32 to index
      %get3A_179 = tpu.vector_load %arg7[%get3A_178] {strides = array<i32>} : memref<2000xi32, #tpu.memory_space<vmem>>, vector<16xi32>,
      %get3A_180 = vector.shape_cast %get3A_179 : vector<16xi32> to vector<16xi32>
      %add3A_181 = arith.addi %mul3A_175, %get3A_180 : vector<16xi32>
      %swap3A = arith.index_cast %add3A_170 : i32 to index
      %swap3A_182 = tpu.vector_load %arg6[%swap3A] {strides = array<i32>} : memref<10000xi32, #tpu.memory_space<vmem>>, vector<16xi32>,
      %swap3A_183 = vector.shape_cast %swap3A_182 : vector<16xi32> to vector<16xi32>
      %swap3A_184 = vector.shape_cast %add3A_181 : vector<16xi32> to vector<16xi32>
      tpu.vector_store %arg6[%swap3A], %swap3A_184 {strides = array<i32>} : memref<10000xi32, #tpu.memory_space<vmem>>, vector<16xi32>,
    }
    %scan3A_126 = arith.constant 125 : i32
    %barrier3A = arith.constant 0 : index
    tpu.barrier barrier_id(%barrier3A)
    %dma_start3A = arith.constant 0 : i32
    %dma_start3A_127 = tpu.memref_slice %arg6[%dma_start3A] : memref<10000xi32, #tpu.memory_space<vmem>> -> memref<40xi32, #tpu.memory_space<vmem>>
    %dma_start3A_128 = arith.constant 0 : i32
    %dma_start3A_129 = arith.constant 0 : i32
    %dma_start3A_130 = tpu.memref_slice %arg4[%dma_start3A_128, %dma_start3A_129] : memref<160000x128xf32, #tpu.memory_space<hbm>> -> memref<160000x128xf32, #tpu.memory_space<hbm>>
    tpu.enqueue_indirect_dma source(%dma_start3A_130 : memref<160000x128xf32, #tpu.memory_space<hbm>>) target(%arg9 : memref<40x128xf32, #tpu.memory_space<vmem>>) offsets(%dma_start3A_127 : memref<40xi32, #tpu.memory_space<vmem>>) semaphore(%arg15 : memref<!tpu.dma_semaphore, #tpu.memory_space<semaphore_mem>>)
    %dma_start3A_131 = arith.constant 40 : i32
    %dma_start3A_132 = tpu.memref_slice %arg6[%dma_start3A_131] : memref<10000xi32, #tpu.memory_space<vmem>> -> memref<40xi32, #tpu.memory_space<vmem>>
    %dma_start3A_133 = arith.constant 0 : i32
    %dma_start3A_134 = arith.constant 0 : i32
    %dma_start3A_135 = tpu.memref_slice %arg4[%dma_start3A_133, %dma_start3A_134] : memref<160000x128xf32, #tpu.memory_space<hbm>> -> memref<160000x128xf32, #tpu.memory_space<hbm>>
    tpu.enqueue_indirect_dma source(%dma_start3A_135 : memref<160000x128xf32, #tpu.memory_space<hbm>>) target(%arg10 : memref<40x128xf32, #tpu.memory_space<vmem>>) offsets(%dma_start3A_132 : memref<40xi32, #tpu.memory_space<vmem>>) semaphore(%arg16 : memref<!tpu.dma_semaphore, #tpu.memory_space<semaphore_mem>>)
    %dma_start3A_136 = arith.constant 80 : i32
    %dma_start3A_137 = tpu.memref_slice %arg6[%dma_start3A_136] : memref<10000xi32, #tpu.memory_space<vmem>> -> memref<40xi32, #tpu.memory_space<vmem>>
    %dma_start3A_138 = arith.constant 0 : i32
    %dma_start3A_139 = arith.constant 0 : i32
    %dma_start3A_140 = tpu.memref_slice %arg4[%dma_start3A_138, %dma_start3A_139] : memref<160000x128xf32, #tpu.memory_space<hbm>> -> memref<160000x128xf32, #tpu.memory_space<hbm>>
    tpu.enqueue_indirect_dma source(%dma_start3A_140 : memref<160000x128xf32, #tpu.memory_space<hbm>>) target(%arg11 : memref<40x128xf32, #tpu.memory_space<vmem>>) offsets(%dma_start3A_137 : memref<40xi32, #tpu.memory_space<vmem>>) semaphore(%arg17 : memref<!tpu.dma_semaphore, #tpu.memory_space<semaphore_mem>>)
    %dma_start3A_141 = arith.constant 120 : i32
    %dma_start3A_142 = tpu.memref_slice %arg6[%dma_start3A_141] : memref<10000xi32, #tpu.memory_space<vmem>> -> memref<40xi32, #tpu.memory_space<vmem>>
    %dma_start3A_143 = arith.constant 0 : i32
    %dma_start3A_144 = arith.constant 0 : i32
    %dma_start3A_145 = tpu.memref_slice %arg4[%dma_start3A_143, %dma_start3A_144] : memref<160000x128xf32, #tpu.memory_space<hbm>> -> memref<160000x128xf32, #tpu.memory_space<hbm>>
    tpu.enqueue_indirect_dma source(%dma_start3A_145 : memref<160000x128xf32, #tpu.memory_space<hbm>>) target(%arg12 : memref<40x128xf32, #tpu.memory_space<vmem>>) offsets(%dma_start3A_142 : memref<40xi32, #tpu.memory_space<vmem>>) semaphore(%arg18 : memref<!tpu.dma_semaphore, #tpu.memory_space<semaphore_mem>>)
    %dma_start3A_146 = arith.constant 160 : i32
    %dma_start3A_147 = tpu.memref_slice %arg6[%dma_start3A_146] : memref<10000xi32, #tpu.memory_space<vmem>> -> memref<40xi32, #tpu.memory_space<vmem>>
    %dma_start3A_148 = arith.constant 0 : i32
    %dma_start3A_149 = arith.constant 0 : i32
    %dma_start3A_150 = tpu.memref_slice %arg4[%dma_start3A_148, %dma_start3A_149] : memref<160000x128xf32, #tpu.memory_space<hbm>> -> memref<160000x128xf32, #tpu.memory_space<hbm>>
    tpu.enqueue_indirect_dma source(%dma_start3A_150 : memref<160000x128xf32, #tpu.memory_space<hbm>>) target(%arg13 : memref<40x128xf32, #tpu.memory_space<vmem>>) offsets(%dma_start3A_147 : memref<40xi32, #tpu.memory_space<vmem>>) semaphore(%arg19 : memref<!tpu.dma_semaphore, #tpu.memory_space<semaphore_mem>>)
    %scan3A_151 = arith.constant 0 : i32
    %scan3A_152 = arith.constant 0 : i32
    %scan3A_153 = arith.constant 50 : i32
    %scan3A_154 = arith.addi %scan3A_152, %scan3A_153 : i32
    %scan3A_155 = arith.constant 1 : i32
    scf.for %scan3A_166 = %scan3A_152 to %scan3A_154 step %scan3A_155  : i32 {
      %mul3A_167 = arith.constant 5 : i32
      %mul3A_168 = arith.muli %mul3A_167, %scan3A_166 : i32
      %add3A_169 = arith.constant 0 : i32
      %add3A_170 = arith.addi %mul3A_168, %add3A_169 : i32
      %mul3A_171 = arith.constant 40 : i32
      %mul3A_172 = arith.muli %add3A_170, %mul3A_171 : i32
      %dma_wait3A_173 = tpu.memref_slice %arg6[%mul3A_172] : memref<10000xi32, #tpu.memory_space<vmem>> -> memref<40xi32, #tpu.memory_space<vmem>>
      %dma_wait3A_174 = arith.constant 0 : i32
      %dma_wait3A_175 = arith.constant 0 : i32
      %dma_wait3A_176 = tpu.memref_slice %arg4[%dma_wait3A_174, %dma_wait3A_175] : memref<160000x128xf32, #tpu.memory_space<hbm>> -> memref<160000x128xf32, #tpu.memory_space<hbm>>
      tpu.wait_indirect_dma semaphore(%arg15 : memref<!tpu.dma_semaphore, #tpu.memory_space<semaphore_mem>>) src(%dma_wait3A_176 : memref<160000x128xf32, #tpu.memory_space<hbm>>) dst(%arg9 : memref<40x128xf32, #tpu.memory_space<vmem>>)
      %mul3A_177 = arith.constant 40 : i32
      %mul3A_178 = arith.muli %add3A_170, %mul3A_177 : i32
      %dma_start3A_179 = tpu.memref_slice %arg8[%mul3A_178] : memref<10000xi32, #tpu.memory_space<vmem>> -> memref<40xi32, #tpu.memory_space<vmem>>
      %dma_start3A_180 = arith.constant 0 : i32
      %dma_start3A_181 = arith.constant 0 : i32
      %dma_start3A_182 = tpu.memref_slice %arg14[%dma_start3A_180, %dma_start3A_181] : memref<10240x128xf32, #tpu.memory_space<vmem_shared>> -> memref<10240x128xf32, #tpu.memory_space<vmem_shared>>
      tpu.enqueue_indirect_dma source(%arg9 : memref<40x128xf32, #tpu.memory_space<vmem>>) target(%dma_start3A_182 : memref<10240x128xf32, #tpu.memory_space<vmem_shared>>) offsets(%dma_start3A_179 : memref<40xi32, #tpu.memory_space<vmem>>) semaphore(%arg20 : memref<!tpu.dma_semaphore, #tpu.memory_space<semaphore_mem>>) {add = true}
      %sub3A = arith.constant 1 : i32
      %sub3A_183 = arith.subi %add3A_170, %sub3A : i32
      %ge3A = arith.constant 0 : i32
      %ge3A_184 = arith.cmpi sge, %sub3A_183, %ge3A : i32
      %convert_element_type3A = arith.extui %ge3A_184 : i1 to i32
      %cond3A = arith.constant 0 : i32
      %cond3A_185 = arith.cmpi ne, %convert_element_type3A, %cond3A : i32
      scf.if %cond3A_185 {
        %mul3A_278 = arith.constant 40 : i32
        %mul3A_279 = arith.muli %sub3A_183, %mul3A_278 : i32
        %dma_wait3A_280 = tpu.memref_slice %arg8[%mul3A_279] : memref<10000xi32, #tpu.memory_space<vmem>> -> memref<40xi32, #tpu.memory_space<vmem>>
        %dma_wait3A_281 = arith.constant 0 : i32
        %dma_wait3A_282 = arith.constant 0 : i32
        %dma_wait3A_283 = tpu.memref_slice %arg14[%dma_wait3A_281, %dma_wait3A_282] : memref<10240x128xf32, #tpu.memory_space<vmem_shared>> -> memref<10240x128xf32, #tpu.memory_space<vmem_shared>>
        tpu.wait_indirect_dma semaphore(%arg24 : memref<!tpu.dma_semaphore, #tpu.memory_space<semaphore_mem>>) src(%arg13 : memref<40x128xf32, #tpu.memory_space<vmem>>) dst(%dma_wait3A_283 : memref<10240x128xf32, #tpu.memory_space<vmem_shared>>)
        %add3A_284 = arith.constant 5 : i32
        %add3A_285 = arith.addi %sub3A_183, %add3A_284 : i32
        %lt3A = arith.constant 250 : i32
        %lt3A_286 = arith.cmpi slt, %add3A_285, %lt3A : i32
        %convert_element_type3A_287 = arith.extui %lt3A_286 : i1 to i32
        %cond3A_288 = arith.constant 0 : i32
        %cond3A_289 = arith.cmpi ne, %convert_element_type3A_287, %cond3A_288 : i32
        scf.if %cond3A_289 {
          %add3A_290 = arith.constant 5 : i32
          %add3A_291 = arith.addi %sub3A_183, %add3A_290 : i32
          %mul3A_292 = arith.constant 40 : i32
          %mul3A_293 = arith.muli %add3A_291, %mul3A_292 : i32
          %dma_start3A_294 = tpu.memref_slice %arg6[%mul3A_293] : memref<10000xi32, #tpu.memory_space<vmem>> -> memref<40xi32, #tpu.memory_space<vmem>>
          %dma_start3A_295 = arith.constant 0 : i32
          %dma_start3A_296 = arith.constant 0 : i32
          %dma_start3A_297 = tpu.memref_slice %arg4[%dma_start3A_295, %dma_start3A_296] : memref<160000x128xf32, #tpu.memory_space<hbm>> -> memref<160000x128xf32, #tpu.memory_space<hbm>>
          tpu.enqueue_indirect_dma source(%dma_start3A_297 : memref<160000x128xf32, #tpu.memory_space<hbm>>) target(%arg13 : memref<40x128xf32, #tpu.memory_space<vmem>>) offsets(%dma_start3A_294 : memref<40xi32, #tpu.memory_space<vmem>>) semaphore(%arg19 : memref<!tpu.dma_semaphore, #tpu.memory_space<semaphore_mem>>)
        } else {
        }
      } else {
      }
      %mul3A_186 = arith.constant 5 : i32
      %mul3A_187 = arith.muli %mul3A_186, %scan3A_166 : i32
      %add3A_188 = arith.constant 1 : i32
      %add3A_189 = arith.addi %mul3A_187, %add3A_188 : i32
      %mul3A_190 = arith.constant 40 : i32
      %mul3A_191 = arith.muli %add3A_189, %mul3A_190 : i32
      %dma_wait3A_192 = tpu.memref_slice %arg6[%mul3A_191] : memref<10000xi32, #tpu.memory_space<vmem>> -> memref<40xi32, #tpu.memory_space<vmem>>
      %dma_wait3A_193 = arith.constant 0 : i32
      %dma_wait3A_194 = arith.constant 0 : i32
      %dma_wait3A_195 = tpu.memref_slice %arg4[%dma_wait3A_193, %dma_wait3A_194] : memref<160000x128xf32, #tpu.memory_space<hbm>> -> memref<160000x128xf32, #tpu.memory_space<hbm>>
      tpu.wait_indirect_dma semaphore(%arg16 : memref<!tpu.dma_semaphore, #tpu.memory_space<semaphore_mem>>) src(%dma_wait3A_195 : memref<160000x128xf32, #tpu.memory_space<hbm>>) dst(%arg10 : memref<40x128xf32, #tpu.memory_space<vmem>>)
      %mul3A_196 = arith.constant 40 : i32
      %mul3A_197 = arith.muli %add3A_189, %mul3A_196 : i32
      %dma_start3A_198 = tpu.memref_slice %arg8[%mul3A_197] : memref<10000xi32, #tpu.memory_space<vmem>> -> memref<40xi32, #tpu.memory_space<vmem>>
      %dma_start3A_199 = arith.constant 0 : i32
      %dma_start3A_200 = arith.constant 0 : i32
      %dma_start3A_201 = tpu.memref_slice %arg14[%dma_start3A_199, %dma_start3A_200] : memref<10240x128xf32, #tpu.memory_space<vmem_shared>> -> memref<10240x128xf32, #tpu.memory_space<vmem_shared>>
      tpu.enqueue_indirect_dma source(%arg10 : memref<40x128xf32, #tpu.memory_space<vmem>>) target(%dma_start3A_201 : memref<10240x128xf32, #tpu.memory_space<vmem_shared>>) offsets(%dma_start3A_198 : memref<40xi32, #tpu.memory_space<vmem>>) semaphore(%arg21 : memref<!tpu.dma_semaphore, #tpu.memory_space<semaphore_mem>>) {add = true}
      %sub3A_202 = arith.constant 1 : i32
      %sub3A_203 = arith.subi %add3A_189, %sub3A_202 : i32
      %ge3A_204 = arith.constant 0 : i32
      %ge3A_205 = arith.cmpi sge, %sub3A_203, %ge3A_204 : i32
      %convert_element_type3A_206 = arith.extui %ge3A_205 : i1 to i32
      %cond3A_207 = arith.constant 0 : i32
      %cond3A_208 = arith.cmpi ne, %convert_element_type3A_206, %cond3A_207 : i32
      scf.if %cond3A_208 {
        %mul3A_278 = arith.constant 40 : i32
        %mul3A_279 = arith.muli %sub3A_203, %mul3A_278 : i32
        %dma_wait3A_280 = tpu.memref_slice %arg8[%mul3A_279] : memref<10000xi32, #tpu.memory_space<vmem>> -> memref<40xi32, #tpu.memory_space<vmem>>
        %dma_wait3A_281 = arith.constant 0 : i32
        %dma_wait3A_282 = arith.constant 0 : i32
        %dma_wait3A_283 = tpu.memref_slice %arg14[%dma_wait3A_281, %dma_wait3A_282] : memref<10240x128xf32, #tpu.memory_space<vmem_shared>> -> memref<10240x128xf32, #tpu.memory_space<vmem_shared>>
        tpu.wait_indirect_dma semaphore(%arg20 : memref<!tpu.dma_semaphore, #tpu.memory_space<semaphore_mem>>) src(%arg9 : memref<40x128xf32, #tpu.memory_space<vmem>>) dst(%dma_wait3A_283 : memref<10240x128xf32, #tpu.memory_space<vmem_shared>>)
        %add3A_284 = arith.constant 5 : i32
        %add3A_285 = arith.addi %sub3A_203, %add3A_284 : i32
        %lt3A = arith.constant 250 : i32
        %lt3A_286 = arith.cmpi slt, %add3A_285, %lt3A : i32
        %convert_element_type3A_287 = arith.extui %lt3A_286 : i1 to i32
        %cond3A_288 = arith.constant 0 : i32
        %cond3A_289 = arith.cmpi ne, %convert_element_type3A_287, %cond3A_288 : i32
        scf.if %cond3A_289 {
          %add3A_290 = arith.constant 5 : i32
          %add3A_291 = arith.addi %sub3A_203, %add3A_290 : i32
          %mul3A_292 = arith.constant 40 : i32
          %mul3A_293 = arith.muli %add3A_291, %mul3A_292 : i32
          %dma_start3A_294 = tpu.memref_slice %arg6[%mul3A_293] : memref<10000xi32, #tpu.memory_space<vmem>> -> memref<40xi32, #tpu.memory_space<vmem>>
          %dma_start3A_295 = arith.constant 0 : i32
          %dma_start3A_296 = arith.constant 0 : i32
          %dma_start3A_297 = tpu.memref_slice %arg4[%dma_start3A_295, %dma_start3A_296] : memref<160000x128xf32, #tpu.memory_space<hbm>> -> memref<160000x128xf32, #tpu.memory_space<hbm>>
          tpu.enqueue_indirect_dma source(%dma_start3A_297 : memref<160000x128xf32, #tpu.memory_space<hbm>>) target(%arg9 : memref<40x128xf32, #tpu.memory_space<vmem>>) offsets(%dma_start3A_294 : memref<40xi32, #tpu.memory_space<vmem>>) semaphore(%arg15 : memref<!tpu.dma_semaphore, #tpu.memory_space<semaphore_mem>>)
        } else {
        }
      } else {
      }
      %mul3A_209 = arith.constant 5 : i32
      %mul3A_210 = arith.muli %mul3A_209, %scan3A_166 : i32
      %add3A_211 = arith.constant 2 : i32
      %add3A_212 = arith.addi %mul3A_210, %add3A_211 : i32
      %mul3A_213 = arith.constant 40 : i32
      %mul3A_214 = arith.muli %add3A_212, %mul3A_213 : i32
      %dma_wait3A_215 = tpu.memref_slice %arg6[%mul3A_214] : memref<10000xi32, #tpu.memory_space<vmem>> -> memref<40xi32, #tpu.memory_space<vmem>>
      %dma_wait3A_216 = arith.constant 0 : i32
      %dma_wait3A_217 = arith.constant 0 : i32
      %dma_wait3A_218 = tpu.memref_slice %arg4[%dma_wait3A_216, %dma_wait3A_217] : memref<160000x128xf32, #tpu.memory_space<hbm>> -> memref<160000x128xf32, #tpu.memory_space<hbm>>
      tpu.wait_indirect_dma semaphore(%arg17 : memref<!tpu.dma_semaphore, #tpu.memory_space<semaphore_mem>>) src(%dma_wait3A_218 : memref<160000x128xf32, #tpu.memory_space<hbm>>) dst(%arg11 : memref<40x128xf32, #tpu.memory_space<vmem>>)
      %mul3A_219 = arith.constant 40 : i32
      %mul3A_220 = arith.muli %add3A_212, %mul3A_219 : i32
      %dma_start3A_221 = tpu.memref_slice %arg8[%mul3A_220] : memref<10000xi32, #tpu.memory_space<vmem>> -> memref<40xi32, #tpu.memory_space<vmem>>
      %dma_start3A_222 = arith.constant 0 : i32
      %dma_start3A_223 = arith.constant 0 : i32
      %dma_start3A_224 = tpu.memref_slice %arg14[%dma_start3A_222, %dma_start3A_223] : memref<10240x128xf32, #tpu.memory_space<vmem_shared>> -> memref<10240x128xf32, #tpu.memory_space<vmem_shared>>
      tpu.enqueue_indirect_dma source(%arg11 : memref<40x128xf32, #tpu.memory_space<vmem>>) target(%dma_start3A_224 : memref<10240x128xf32, #tpu.memory_space<vmem_shared>>) offsets(%dma_start3A_221 : memref<40xi32, #tpu.memory_space<vmem>>) semaphore(%arg22 : memref<!tpu.dma_semaphore, #tpu.memory_space<semaphore_mem>>) {add = true}
      %sub3A_225 = arith.constant 1 : i32
      %sub3A_226 = arith.subi %add3A_212, %sub3A_225 : i32
      %ge3A_227 = arith.constant 0 : i32
      %ge3A_228 = arith.cmpi sge, %sub3A_226, %ge3A_227 : i32
      %convert_element_type3A_229 = arith.extui %ge3A_228 : i1 to i32
      %cond3A_230 = arith.constant 0 : i32
      %cond3A_231 = arith.cmpi ne, %convert_element_type3A_229, %cond3A_230 : i32
      scf.if %cond3A_231 {
        %mul3A_278 = arith.constant 40 : i32
        %mul3A_279 = arith.muli %sub3A_226, %mul3A_278 : i32
        %dma_wait3A_280 = tpu.memref_slice %arg8[%mul3A_279] : memref<10000xi32, #tpu.memory_space<vmem>> -> memref<40xi32, #tpu.memory_space<vmem>>
        %dma_wait3A_281 = arith.constant 0 : i32
        %dma_wait3A_282 = arith.constant 0 : i32
        %dma_wait3A_283 = tpu.memref_slice %arg14[%dma_wait3A_281, %dma_wait3A_282] : memref<10240x128xf32, #tpu.memory_space<vmem_shared>> -> memref<10240x128xf32, #tpu.memory_space<vmem_shared>>
        tpu.wait_indirect_dma semaphore(%arg21 : memref<!tpu.dma_semaphore, #tpu.memory_space<semaphore_mem>>) src(%arg10 : memref<40x128xf32, #tpu.memory_space<vmem>>) dst(%dma_wait3A_283 : memref<10240x128xf32, #tpu.memory_space<vmem_shared>>)
        %add3A_284 = arith.constant 5 : i32
        %add3A_285 = arith.addi %sub3A_226, %add3A_284 : i32
        %lt3A = arith.constant 250 : i32
        %lt3A_286 = arith.cmpi slt, %add3A_285, %lt3A : i32
        %convert_element_type3A_287 = arith.extui %lt3A_286 : i1 to i32
        %cond3A_288 = arith.constant 0 : i32
        %cond3A_289 = arith.cmpi ne, %convert_element_type3A_287, %cond3A_288 : i32
        scf.if %cond3A_289 {
          %add3A_290 = arith.constant 5 : i32
          %add3A_291 = arith.addi %sub3A_226, %add3A_290 : i32
          %mul3A_292 = arith.constant 40 : i32
          %mul3A_293 = arith.muli %add3A_291, %mul3A_292 : i32
          %dma_start3A_294 = tpu.memref_slice %arg6[%mul3A_293] : memref<10000xi32, #tpu.memory_space<vmem>> -> memref<40xi32, #tpu.memory_space<vmem>>
          %dma_start3A_295 = arith.constant 0 : i32
          %dma_start3A_296 = arith.constant 0 : i32
          %dma_start3A_297 = tpu.memref_slice %arg4[%dma_start3A_295, %dma_start3A_296] : memref<160000x128xf32, #tpu.memory_space<hbm>> -> memref<160000x128xf32, #tpu.memory_space<hbm>>
          tpu.enqueue_indirect_dma source(%dma_start3A_297 : memref<160000x128xf32, #tpu.memory_space<hbm>>) target(%arg10 : memref<40x128xf32, #tpu.memory_space<vmem>>) offsets(%dma_start3A_294 : memref<40xi32, #tpu.memory_space<vmem>>) semaphore(%arg16 : memref<!tpu.dma_semaphore, #tpu.memory_space<semaphore_mem>>)
        } else {
        }
      } else {
      }
      %mul3A_232 = arith.constant 5 : i32
      %mul3A_233 = arith.muli %mul3A_232, %scan3A_166 : i32
      %add3A_234 = arith.constant 3 : i32
      %add3A_235 = arith.addi %mul3A_233, %add3A_234 : i32
      %mul3A_236 = arith.constant 40 : i32
      %mul3A_237 = arith.muli %add3A_235, %mul3A_236 : i32
      %dma_wait3A_238 = tpu.memref_slice %arg6[%mul3A_237] : memref<10000xi32, #tpu.memory_space<vmem>> -> memref<40xi32, #tpu.memory_space<vmem>>
      %dma_wait3A_239 = arith.constant 0 : i32
      %dma_wait3A_240 = arith.constant 0 : i32
      %dma_wait3A_241 = tpu.memref_slice %arg4[%dma_wait3A_239, %dma_wait3A_240] : memref<160000x128xf32, #tpu.memory_space<hbm>> -> memref<160000x128xf32, #tpu.memory_space<hbm>>
      tpu.wait_indirect_dma semaphore(%arg18 : memref<!tpu.dma_semaphore, #tpu.memory_space<semaphore_mem>>) src(%dma_wait3A_241 : memref<160000x128xf32, #tpu.memory_space<hbm>>) dst(%arg12 : memref<40x128xf32, #tpu.memory_space<vmem>>)
      %mul3A_242 = arith.constant 40 : i32
      %mul3A_243 = arith.muli %add3A_235, %mul3A_242 : i32
      %dma_start3A_244 = tpu.memref_slice %arg8[%mul3A_243] : memref<10000xi32, #tpu.memory_space<vmem>> -> memref<40xi32, #tpu.memory_space<vmem>>
      %dma_start3A_245 = arith.constant 0 : i32
      %dma_start3A_246 = arith.constant 0 : i32
      %dma_start3A_247 = tpu.memref_slice %arg14[%dma_start3A_245, %dma_start3A_246] : memref<10240x128xf32, #tpu.memory_space<vmem_shared>> -> memref<10240x128xf32, #tpu.memory_space<vmem_shared>>
      tpu.enqueue_indirect_dma source(%arg12 : memref<40x128xf32, #tpu.memory_space<vmem>>) target(%dma_start3A_247 : memref<10240x128xf32, #tpu.memory_space<vmem_shared>>) offsets(%dma_start3A_244 : memref<40xi32, #tpu.memory_space<vmem>>) semaphore(%arg23 : memref<!tpu.dma_semaphore, #tpu.memory_space<semaphore_mem>>) {add = true}
      %sub3A_248 = arith.constant 1 : i32
      %sub3A_249 = arith.subi %add3A_235, %sub3A_248 : i32
      %ge3A_250 = arith.constant 0 : i32
      %ge3A_251 = arith.cmpi sge, %sub3A_249, %ge3A_250 : i32
      %convert_element_type3A_252 = arith.extui %ge3A_251 : i1 to i32
      %cond3A_253 = arith.constant 0 : i32
      %cond3A_254 = arith.cmpi ne, %convert_element_type3A_252, %cond3A_253 : i32
      scf.if %cond3A_254 {
        %mul3A_278 = arith.constant 40 : i32
        %mul3A_279 = arith.muli %sub3A_249, %mul3A_278 : i32
        %dma_wait3A_280 = tpu.memref_slice %arg8[%mul3A_279] : memref<10000xi32, #tpu.memory_space<vmem>> -> memref<40xi32, #tpu.memory_space<vmem>>
        %dma_wait3A_281 = arith.constant 0 : i32
        %dma_wait3A_282 = arith.constant 0 : i32
        %dma_wait3A_283 = tpu.memref_slice %arg14[%dma_wait3A_281, %dma_wait3A_282] : memref<10240x128xf32, #tpu.memory_space<vmem_shared>> -> memref<10240x128xf32, #tpu.memory_space<vmem_shared>>
        tpu.wait_indirect_dma semaphore(%arg22 : memref<!tpu.dma_semaphore, #tpu.memory_space<semaphore_mem>>) src(%arg11 : memref<40x128xf32, #tpu.memory_space<vmem>>) dst(%dma_wait3A_283 : memref<10240x128xf32, #tpu.memory_space<vmem_shared>>)
        %add3A_284 = arith.constant 5 : i32
        %add3A_285 = arith.addi %sub3A_249, %add3A_284 : i32
        %lt3A = arith.constant 250 : i32
        %lt3A_286 = arith.cmpi slt, %add3A_285, %lt3A : i32
        %convert_element_type3A_287 = arith.extui %lt3A_286 : i1 to i32
        %cond3A_288 = arith.constant 0 : i32
        %cond3A_289 = arith.cmpi ne, %convert_element_type3A_287, %cond3A_288 : i32
        scf.if %cond3A_289 {
          %add3A_290 = arith.constant 5 : i32
          %add3A_291 = arith.addi %sub3A_249, %add3A_290 : i32
          %mul3A_292 = arith.constant 40 : i32
          %mul3A_293 = arith.muli %add3A_291, %mul3A_292 : i32
          %dma_start3A_294 = tpu.memref_slice %arg6[%mul3A_293] : memref<10000xi32, #tpu.memory_space<vmem>> -> memref<40xi32, #tpu.memory_space<vmem>>
          %dma_start3A_295 = arith.constant 0 : i32
          %dma_start3A_296 = arith.constant 0 : i32
          %dma_start3A_297 = tpu.memref_slice %arg4[%dma_start3A_295, %dma_start3A_296] : memref<160000x128xf32, #tpu.memory_space<hbm>> -> memref<160000x128xf32, #tpu.memory_space<hbm>>
          tpu.enqueue_indirect_dma source(%dma_start3A_297 : memref<160000x128xf32, #tpu.memory_space<hbm>>) target(%arg11 : memref<40x128xf32, #tpu.memory_space<vmem>>) offsets(%dma_start3A_294 : memref<40xi32, #tpu.memory_space<vmem>>) semaphore(%arg17 : memref<!tpu.dma_semaphore, #tpu.memory_space<semaphore_mem>>)
        } else {
        }
      } else {
      }
      %mul3A_255 = arith.constant 5 : i32
      %mul3A_256 = arith.muli %mul3A_255, %scan3A_166 : i32
      %add3A_257 = arith.constant 4 : i32
      %add3A_258 = arith.addi %mul3A_256, %add3A_257 : i32
      %mul3A_259 = arith.constant 40 : i32
      %mul3A_260 = arith.muli %add3A_258, %mul3A_259 : i32
      %dma_wait3A_261 = tpu.memref_slice %arg6[%mul3A_260] : memref<10000xi32, #tpu.memory_space<vmem>> -> memref<40xi32, #tpu.memory_space<vmem>>
      %dma_wait3A_262 = arith.constant 0 : i32
      %dma_wait3A_263 = arith.constant 0 : i32
      %dma_wait3A_264 = tpu.memref_slice %arg4[%dma_wait3A_262, %dma_wait3A_263] : memref<160000x128xf32, #tpu.memory_space<hbm>> -> memref<160000x128xf32, #tpu.memory_space<hbm>>
      tpu.wait_indirect_dma semaphore(%arg19 : memref<!tpu.dma_semaphore, #tpu.memory_space<semaphore_mem>>) src(%dma_wait3A_264 : memref<160000x128xf32, #tpu.memory_space<hbm>>) dst(%arg13 : memref<40x128xf32, #tpu.memory_space<vmem>>)
      %mul3A_265 = arith.constant 40 : i32
      %mul3A_266 = arith.muli %add3A_258, %mul3A_265 : i32
      %dma_start3A_267 = tpu.memref_slice %arg8[%mul3A_266] : memref<10000xi32, #tpu.memory_space<vmem>> -> memref<40xi32, #tpu.memory_space<vmem>>
      %dma_start3A_268 = arith.constant 0 : i32
      %dma_start3A_269 = arith.constant 0 : i32
      %dma_start3A_270 = tpu.memref_slice %arg14[%dma_start3A_268, %dma_start3A_269] : memref<10240x128xf32, #tpu.memory_space<vmem_shared>> -> memref<10240x128xf32, #tpu.memory_space<vmem_shared>>
      tpu.enqueue_indirect_dma source(%arg13 : memref<40x128xf32, #tpu.memory_space<vmem>>) target(%dma_start3A_270 : memref<10240x128xf32, #tpu.memory_space<vmem_shared>>) offsets(%dma_start3A_267 : memref<40xi32, #tpu.memory_space<vmem>>) semaphore(%arg24 : memref<!tpu.dma_semaphore, #tpu.memory_space<semaphore_mem>>) {add = true}
      %sub3A_271 = arith.constant 1 : i32
      %sub3A_272 = arith.subi %add3A_258, %sub3A_271 : i32
      %ge3A_273 = arith.constant 0 : i32
      %ge3A_274 = arith.cmpi sge, %sub3A_272, %ge3A_273 : i32
      %convert_element_type3A_275 = arith.extui %ge3A_274 : i1 to i32
      %cond3A_276 = arith.constant 0 : i32
      %cond3A_277 = arith.cmpi ne, %convert_element_type3A_275, %cond3A_276 : i32
      scf.if %cond3A_277 {
        %mul3A_278 = arith.constant 40 : i32
        %mul3A_279 = arith.muli %sub3A_272, %mul3A_278 : i32
        %dma_wait3A_280 = tpu.memref_slice %arg8[%mul3A_279] : memref<10000xi32, #tpu.memory_space<vmem>> -> memref<40xi32, #tpu.memory_space<vmem>>
        %dma_wait3A_281 = arith.constant 0 : i32
        %dma_wait3A_282 = arith.constant 0 : i32
        %dma_wait3A_283 = tpu.memref_slice %arg14[%dma_wait3A_281, %dma_wait3A_282] : memref<10240x128xf32, #tpu.memory_space<vmem_shared>> -> memref<10240x128xf32, #tpu.memory_space<vmem_shared>>
        tpu.wait_indirect_dma semaphore(%arg23 : memref<!tpu.dma_semaphore, #tpu.memory_space<semaphore_mem>>) src(%arg12 : memref<40x128xf32, #tpu.memory_space<vmem>>) dst(%dma_wait3A_283 : memref<10240x128xf32, #tpu.memory_space<vmem_shared>>)
        %add3A_284 = arith.constant 5 : i32
        %add3A_285 = arith.addi %sub3A_272, %add3A_284 : i32
        %lt3A = arith.constant 250 : i32
        %lt3A_286 = arith.cmpi slt, %add3A_285, %lt3A : i32
        %convert_element_type3A_287 = arith.extui %lt3A_286 : i1 to i32
        %cond3A_288 = arith.constant 0 : i32
        %cond3A_289 = arith.cmpi ne, %convert_element_type3A_287, %cond3A_288 : i32
        scf.if %cond3A_289 {
          %add3A_290 = arith.constant 5 : i32
          %add3A_291 = arith.addi %sub3A_272, %add3A_290 : i32
          %mul3A_292 = arith.constant 40 : i32
          %mul3A_293 = arith.muli %add3A_291, %mul3A_292 : i32
          %dma_start3A_294 = tpu.memref_slice %arg6[%mul3A_293] : memref<10000xi32, #tpu.memory_space<vmem>> -> memref<40xi32, #tpu.memory_space<vmem>>
          %dma_start3A_295 = arith.constant 0 : i32
          %dma_start3A_296 = arith.constant 0 : i32
          %dma_start3A_297 = tpu.memref_slice %arg4[%dma_start3A_295, %dma_start3A_296] : memref<160000x128xf32, #tpu.memory_space<hbm>> -> memref<160000x128xf32, #tpu.memory_space<hbm>>
          tpu.enqueue_indirect_dma source(%dma_start3A_297 : memref<160000x128xf32, #tpu.memory_space<hbm>>) target(%arg12 : memref<40x128xf32, #tpu.memory_space<vmem>>) offsets(%dma_start3A_294 : memref<40xi32, #tpu.memory_space<vmem>>) semaphore(%arg18 : memref<!tpu.dma_semaphore, #tpu.memory_space<semaphore_mem>>)
        } else {
        }
      } else {
      }
    }
    %scan3A_156 = arith.constant 50 : i32
    %dma_wait3A = arith.constant 9960 : i32
    %dma_wait3A_157 = tpu.memref_slice %arg8[%dma_wait3A] : memref<10000xi32, #tpu.memory_space<vmem>> -> memref<40xi32, #tpu.memory_space<vmem>>
    %dma_wait3A_158 = arith.constant 0 : i32
    %dma_wait3A_159 = arith.constant 0 : i32
    %dma_wait3A_160 = tpu.memref_slice %arg14[%dma_wait3A_158, %dma_wait3A_159] : memref<10240x128xf32, #tpu.memory_space<vmem_shared>> -> memref<10240x128xf32, #tpu.memory_space<vmem_shared>>
    tpu.wait_indirect_dma semaphore(%arg24 : memref<!tpu.dma_semaphore, #tpu.memory_space<semaphore_mem>>) src(%arg13 : memref<40x128xf32, #tpu.memory_space<vmem>>) dst(%dma_wait3A_160 : memref<10240x128xf32, #tpu.memory_space<vmem_shared>>)
    %barrier3A_161 = arith.constant 0 : index
    tpu.barrier barrier_id(%barrier3A_161)
    %mul3A_162 = arith.constant 640 : i32
    %mul3A_163 = arith.muli %arg1, %mul3A_162 : i32
    %mul3A_164 = arith.constant 640 : i32
    %mul3A_165 = arith.muli %arg1, %mul3A_164 : i32
    "tpu.region"() ({
      %run_scoped3A = tpu.sem_alloc : memref<!tpu.dma_semaphore, #tpu.memory_space<semaphore_mem>>
      %dma_start3A_166 = arith.constant 0 : i32
      %dma_start3A_167 = tpu.memref_slice %arg5[%arg0, %mul3A_165, %dma_start3A_166] : memref<2x10240x128xf32, #tpu.memory_space<hbm>> -> memref<1x640x128xf32, #tpu.memory_space<hbm>>
      %dma_start3A_168 = tpu.memref_squeeze %dma_start3A_167 : memref<1x640x128xf32, #tpu.memory_space<hbm>> -> memref<640x128xf32, #tpu.memory_space<hbm>>
      %dma_start3A_169 = arith.constant 0 : i32
      %dma_start3A_170 = tpu.memref_slice %arg14[%mul3A_163, %dma_start3A_169] : memref<10240x128xf32, #tpu.memory_space<vmem_shared>> -> memref<640x128xf32, #tpu.memory_space<vmem_shared>>
      tpu.enqueue_dma source(%dma_start3A_170 : memref<640x128xf32, #tpu.memory_space<vmem_shared>>) target(%dma_start3A_168 : memref<640x128xf32, #tpu.memory_space<hbm>>) target_semaphore(%run_scoped3A : memref<!tpu.dma_semaphore, #tpu.memory_space<semaphore_mem>>)
      %dma_wait3A_171 = arith.constant 0 : i32
      %dma_wait3A_172 = tpu.memref_slice %arg5[%arg0, %mul3A_165, %dma_wait3A_171] : memref<2x10240x128xf32, #tpu.memory_space<hbm>> -> memref<1x640x128xf32, #tpu.memory_space<hbm>>
      %dma_wait3A_173 = tpu.memref_squeeze %dma_wait3A_172 : memref<1x640x128xf32, #tpu.memory_space<hbm>> -> memref<640x128xf32, #tpu.memory_space<hbm>>
      %dma_wait3A_174 = arith.constant 0 : i32
      %dma_wait3A_175 = tpu.memref_slice %arg14[%mul3A_163, %dma_wait3A_174] : memref<10240x128xf32, #tpu.memory_space<vmem_shared>> -> memref<640x128xf32, #tpu.memory_space<vmem_shared>>
      tpu.wait_dma2 semaphore(%run_scoped3A : memref<!tpu.dma_semaphore, #tpu.memory_space<semaphore_mem>>) src(%dma_wait3A_175 : memref<640x128xf32, #tpu.memory_space<vmem_shared>>) dst(%dma_wait3A_173 : memref<640x128xf32, #tpu.memory_space<hbm>>)
      tpu.yield
    }) : () -> ()
    return
  }
}

module attributes {stable_mosaic.version = 14 : i64} {
  func.func @_final_body(%arg0: i32, %arg1: memref<1000x128xf32, #tpu.memory_space<vmem>>, %arg2: memref<128x128xf32, #tpu.memory_space<vmem>>, %arg3: memref<2x1000x128xf32, #tpu.memory_space<vmem>>, %arg4: memref<1000x128xf32, #tpu.memory_space<vmem>>) attributes {dimension_semantics = [#tpu.dimension_semantics<arbitrary>], iteration_bounds = array<i64: 10>, scalar_prefetch = 0 : i64, scratch_operands = 0 : i64, tpu.core_type = #tpu.core_type<tc>, window_params = [{transform_indices = @transform_0, window_bounds = array<i64: 1000, 128>}, {pipeline_mode = #tpu.pipeline_mode<synchronous>, transform_indices = @transform_1, window_bounds = array<i64: 128, 128>}, {transform_indices = @transform_2, window_bounds = array<i64: 2, 1000, 128>}, {transform_indices = @transform_3, window_bounds = array<i64: 1000, 128>}]} {
    %get3A = arith.constant 0 : index
    %get3A_0 = arith.constant 0 : index
    %get3A_1 = arith.constant 0 : index
    %get3A_2 = vector.load %arg3[%get3A, %get3A_0, %get3A_1] : memref<2x1000x128xf32, #tpu.memory_space<vmem>>, vector<1x1000x128xf32>
    %get3A_3 = vector.shape_cast %get3A_2 : vector<1x1000x128xf32> to vector<1000x128xf32>
    %get3A_4 = arith.constant 1 : index
    %get3A_5 = arith.constant 0 : index
    %get3A_6 = arith.constant 0 : index
    %get3A_7 = vector.load %arg3[%get3A_4, %get3A_5, %get3A_6] : memref<2x1000x128xf32, #tpu.memory_space<vmem>>, vector<1x1000x128xf32>
    %get3A_8 = vector.shape_cast %get3A_7 : vector<1x1000x128xf32> to vector<1000x128xf32>
    %add3A = arith.addf %get3A_3, %get3A_8 : vector<1000x128xf32>
    %get3A_9 = arith.constant 0 : index
    %get3A_10 = arith.constant 0 : index
    %get3A_11 = vector.load %arg1[%get3A_9, %get3A_10] : memref<1000x128xf32, #tpu.memory_space<vmem>>, vector<1000x128xf32>
    %get3A_12 = arith.constant 0 : index
    %get3A_13 = arith.constant 0 : index
    %get3A_14 = vector.load %arg2[%get3A_12, %get3A_13] : memref<128x128xf32, #tpu.memory_space<vmem>>, vector<128x128xf32>
    %dot_general3A = arith.constant dense<0.000000e+00> : vector<1000x128xf32>
    %dot_general3A_15 = tpu.matmul %get3A_11, %get3A_14, %dot_general3A {dimension_numbers = #tpu.dot_dimension_numbers<[1], [0], [0], [1], [0, 0, 1, 1], [], []>, transpose_lhs_hint = false} : vector<1000x128xf32>, vector<128x128xf32>, vector<1000x128xf32> -> vector<1000x128xf32>
    %add3A_16 = arith.addf %add3A, %dot_general3A_15 : vector<1000x128xf32>
    %max3A = arith.constant 0.000000e+00 : f32
    %max3A_17 = vector.broadcast %max3A : f32 to vector<1000x128xf32>
    %max3A_18 = arith.maximumf %add3A_16, %max3A_17 : vector<1000x128xf32>
    %swap3A = arith.constant 0 : index
    %swap3A_19 = arith.constant 0 : index
    %swap3A_20 = vector.load %arg4[%swap3A, %swap3A_19] : memref<1000x128xf32, #tpu.memory_space<vmem>>, vector<1000x128xf32>
    tpu.vector_store %arg4[%swap3A, %swap3A_19], %max3A_18 {strides = array<i32>} : memref<1000x128xf32, #tpu.memory_space<vmem>>, vector<1000x128xf32>,
    return
  }
  func.func @transform_0(%arg0: i32) -> (i32, i32) {
    %c0_i32 = arith.constant 0 : i32
    %c0_i32_0 = arith.constant 0 : i32
    return %arg0, %c0_i32 : i32, i32
  }
  func.func @transform_1(%arg0: i32) -> (i32, i32) {
    %c0_i32 = arith.constant 0 : i32
    %c0_i32_0 = arith.constant 0 : i32
    %c0_i32_1 = arith.constant 0 : i32
    return %c0_i32, %c0_i32_0 : i32, i32
  }
  func.func @transform_2(%arg0: i32) -> (i32, i32, i32) {
    %c0_i32 = arith.constant 0 : i32
    %c0_i32_0 = arith.constant 0 : i32
    %c0_i32_1 = arith.constant 0 : i32
    return %c0_i32, %arg0, %c0_i32_0 : i32, i32, i32
  }
  func.func @transform_3(%arg0: i32) -> (i32, i32) {
    %c0_i32 = arith.constant 0 : i32
    %c0_i32_0 = arith.constant 0 : i32
    return %arg0, %c0_i32 : i32, i32
  }
}

module attributes {stable_mosaic.version = 14 : i64} {
  func.func @_xw_body(%arg0: i32, %arg1: memref<16x8xf32, #tpu.memory_space<vmem>>, %arg2: memref<8x128x128xf32, #tpu.memory_space<vmem>>, %arg3: memref<1000x128xf32, #tpu.memory_space<vmem>>, %arg4: memref<16x1000x128xf32, #tpu.memory_space<vmem>>) attributes {dimension_semantics = [#tpu.dimension_semantics<arbitrary>], iteration_bounds = array<i64: 10>, scalar_prefetch = 0 : i64, scratch_operands = 0 : i64, tpu.core_type = #tpu.core_type<tc>, window_params = [{pipeline_mode = #tpu.pipeline_mode<synchronous>, transform_indices = @transform_0, window_bounds = array<i64: 16, 8>}, {pipeline_mode = #tpu.pipeline_mode<synchronous>, transform_indices = @transform_1, window_bounds = array<i64: 8, 128, 128>}, {transform_indices = @transform_2, window_bounds = array<i64: 1000, 128>}, {transform_indices = @transform_3, window_bounds = array<i64: 16, 1000, 128>}]} {
    %get3A = arith.constant 0 : index
    %get3A_0 = arith.constant 0 : index
    %get3A_1 = vector.load %arg1[%get3A, %get3A_0] : memref<16x8xf32, #tpu.memory_space<vmem>>, vector<16x8xf32>
    %get3A_2 = arith.constant 0 : index
    %get3A_3 = arith.constant 0 : index
    %get3A_4 = arith.constant 0 : index
    %get3A_5 = vector.load %arg2[%get3A_2, %get3A_3, %get3A_4] : memref<8x128x128xf32, #tpu.memory_space<vmem>>, vector<8x128x128xf32>
    %dot_general3A = arith.constant dense<0.000000e+00> : vector<16x128x128xf32>
    %dot_general3A_6 = tpu.matmul %get3A_1, %get3A_5, %dot_general3A {dimension_numbers = #tpu.dot_dimension_numbers<[1], [0], [0], [1, 2], [0, 0, 1, 1, 1, 2], [], []>, transpose_lhs_hint = false} : vector<16x8xf32>, vector<8x128x128xf32>, vector<16x128x128xf32> -> vector<16x128x128xf32>
    %convert_element_type3A = arith.truncf %dot_general3A_6 : vector<16x128x128xf32> to vector<16x128x128xbf16>
    %get3A_7 = arith.constant 0 : index
    %get3A_8 = arith.constant 0 : index
    %get3A_9 = vector.load %arg3[%get3A_7, %get3A_8] : memref<1000x128xf32, #tpu.memory_space<vmem>>, vector<1000x128xf32>
    %convert_element_type3A_10 = arith.truncf %get3A_9 : vector<1000x128xf32> to vector<1000x128xbf16>
    %slice3A = vector.extract_strided_slice %convert_element_type3A {offsets = [0, 0, 0], sizes = [1, 128, 128], strides = [1, 1, 1]} : vector<16x128x128xbf16> to vector<1x128x128xbf16>
    %squeeze3A = vector.shape_cast %slice3A : vector<1x128x128xbf16> to vector<128x128xbf16>
    %dot_general3A_11 = arith.constant dense<0.000000e+00> : vector<1000x128xf32>
    %dot_general3A_12 = tpu.matmul %convert_element_type3A_10, %squeeze3A, %dot_general3A_11 {dimension_numbers = #tpu.dot_dimension_numbers<[1], [0], [0], [1], [0, 0, 1, 1], [], []>, transpose_lhs_hint = false} : vector<1000x128xbf16>, vector<128x128xbf16>, vector<1000x128xf32> -> vector<1000x128xf32>
    %swap3A = arith.constant 0 : index
    %swap3A_13 = arith.constant 0 : index
    %swap3A_14 = arith.constant 0 : index
    %swap3A_15 = vector.load %arg4[%swap3A, %swap3A_13, %swap3A_14] : memref<16x1000x128xf32, #tpu.memory_space<vmem>>, vector<1x1000x128xf32>
    %swap3A_16 = vector.shape_cast %swap3A_15 : vector<1x1000x128xf32> to vector<1000x128xf32>
    %swap3A_17 = vector.shape_cast %dot_general3A_12 : vector<1000x128xf32> to vector<1x1000x128xf32>
    tpu.vector_store %arg4[%swap3A, %swap3A_13, %swap3A_14], %swap3A_17 {strides = array<i32>} : memref<16x1000x128xf32, #tpu.memory_space<vmem>>, vector<1x1000x128xf32>,
    %slice3A_18 = vector.extract_strided_slice %convert_element_type3A {offsets = [1, 0, 0], sizes = [1, 128, 128], strides = [1, 1, 1]} : vector<16x128x128xbf16> to vector<1x128x128xbf16>
    %squeeze3A_19 = vector.shape_cast %slice3A_18 : vector<1x128x128xbf16> to vector<128x128xbf16>
    %dot_general3A_20 = arith.constant dense<0.000000e+00> : vector<1000x128xf32>
    %dot_general3A_21 = tpu.matmul %convert_element_type3A_10, %squeeze3A_19, %dot_general3A_20 {dimension_numbers = #tpu.dot_dimension_numbers<[1], [0], [0], [1], [0, 0, 1, 1], [], []>, transpose_lhs_hint = false} : vector<1000x128xbf16>, vector<128x128xbf16>, vector<1000x128xf32> -> vector<1000x128xf32>
    %swap3A_22 = arith.constant 1 : index
    %swap3A_23 = arith.constant 0 : index
    %swap3A_24 = arith.constant 0 : index
    %swap3A_25 = vector.load %arg4[%swap3A_22, %swap3A_23, %swap3A_24] : memref<16x1000x128xf32, #tpu.memory_space<vmem>>, vector<1x1000x128xf32>
    %swap3A_26 = vector.shape_cast %swap3A_25 : vector<1x1000x128xf32> to vector<1000x128xf32>
    %swap3A_27 = vector.shape_cast %dot_general3A_21 : vector<1000x128xf32> to vector<1x1000x128xf32>
    tpu.vector_store %arg4[%swap3A_22, %swap3A_23, %swap3A_24], %swap3A_27 {strides = array<i32>} : memref<16x1000x128xf32, #tpu.memory_space<vmem>>, vector<1x1000x128xf32>,
    %slice3A_28 = vector.extract_strided_slice %convert_element_type3A {offsets = [2, 0, 0], sizes = [1, 128, 128], strides = [1, 1, 1]} : vector<16x128x128xbf16> to vector<1x128x128xbf16>
    %squeeze3A_29 = vector.shape_cast %slice3A_28 : vector<1x128x128xbf16> to vector<128x128xbf16>
    %dot_general3A_30 = arith.constant dense<0.000000e+00> : vector<1000x128xf32>
    %dot_general3A_31 = tpu.matmul %convert_element_type3A_10, %squeeze3A_29, %dot_general3A_30 {dimension_numbers = #tpu.dot_dimension_numbers<[1], [0], [0], [1], [0, 0, 1, 1], [], []>, transpose_lhs_hint = false} : vector<1000x128xbf16>, vector<128x128xbf16>, vector<1000x128xf32> -> vector<1000x128xf32>
    %swap3A_32 = arith.constant 2 : index
    %swap3A_33 = arith.constant 0 : index
    %swap3A_34 = arith.constant 0 : index
    %swap3A_35 = vector.load %arg4[%swap3A_32, %swap3A_33, %swap3A_34] : memref<16x1000x128xf32, #tpu.memory_space<vmem>>, vector<1x1000x128xf32>
    %swap3A_36 = vector.shape_cast %swap3A_35 : vector<1x1000x128xf32> to vector<1000x128xf32>
    %swap3A_37 = vector.shape_cast %dot_general3A_31 : vector<1000x128xf32> to vector<1x1000x128xf32>
    tpu.vector_store %arg4[%swap3A_32, %swap3A_33, %swap3A_34], %swap3A_37 {strides = array<i32>} : memref<16x1000x128xf32, #tpu.memory_space<vmem>>, vector<1x1000x128xf32>,
    %slice3A_38 = vector.extract_strided_slice %convert_element_type3A {offsets = [3, 0, 0], sizes = [1, 128, 128], strides = [1, 1, 1]} : vector<16x128x128xbf16> to vector<1x128x128xbf16>
    %squeeze3A_39 = vector.shape_cast %slice3A_38 : vector<1x128x128xbf16> to vector<128x128xbf16>
    %dot_general3A_40 = arith.constant dense<0.000000e+00> : vector<1000x128xf32>
    %dot_general3A_41 = tpu.matmul %convert_element_type3A_10, %squeeze3A_39, %dot_general3A_40 {dimension_numbers = #tpu.dot_dimension_numbers<[1], [0], [0], [1], [0, 0, 1, 1], [], []>, transpose_lhs_hint = false} : vector<1000x128xbf16>, vector<128x128xbf16>, vector<1000x128xf32> -> vector<1000x128xf32>
    %swap3A_42 = arith.constant 3 : index
    %swap3A_43 = arith.constant 0 : index
    %swap3A_44 = arith.constant 0 : index
    %swap3A_45 = vector.load %arg4[%swap3A_42, %swap3A_43, %swap3A_44] : memref<16x1000x128xf32, #tpu.memory_space<vmem>>, vector<1x1000x128xf32>
    %swap3A_46 = vector.shape_cast %swap3A_45 : vector<1x1000x128xf32> to vector<1000x128xf32>
    %swap3A_47 = vector.shape_cast %dot_general3A_41 : vector<1000x128xf32> to vector<1x1000x128xf32>
    tpu.vector_store %arg4[%swap3A_42, %swap3A_43, %swap3A_44], %swap3A_47 {strides = array<i32>} : memref<16x1000x128xf32, #tpu.memory_space<vmem>>, vector<1x1000x128xf32>,
    %slice3A_48 = vector.extract_strided_slice %convert_element_type3A {offsets = [4, 0, 0], sizes = [1, 128, 128], strides = [1, 1, 1]} : vector<16x128x128xbf16> to vector<1x128x128xbf16>
    %squeeze3A_49 = vector.shape_cast %slice3A_48 : vector<1x128x128xbf16> to vector<128x128xbf16>
    %dot_general3A_50 = arith.constant dense<0.000000e+00> : vector<1000x128xf32>
    %dot_general3A_51 = tpu.matmul %convert_element_type3A_10, %squeeze3A_49, %dot_general3A_50 {dimension_numbers = #tpu.dot_dimension_numbers<[1], [0], [0], [1], [0, 0, 1, 1], [], []>, transpose_lhs_hint = false} : vector<1000x128xbf16>, vector<128x128xbf16>, vector<1000x128xf32> -> vector<1000x128xf32>
    %swap3A_52 = arith.constant 4 : index
    %swap3A_53 = arith.constant 0 : index
    %swap3A_54 = arith.constant 0 : index
    %swap3A_55 = vector.load %arg4[%swap3A_52, %swap3A_53, %swap3A_54] : memref<16x1000x128xf32, #tpu.memory_space<vmem>>, vector<1x1000x128xf32>
    %swap3A_56 = vector.shape_cast %swap3A_55 : vector<1x1000x128xf32> to vector<1000x128xf32>
    %swap3A_57 = vector.shape_cast %dot_general3A_51 : vector<1000x128xf32> to vector<1x1000x128xf32>
    tpu.vector_store %arg4[%swap3A_52, %swap3A_53, %swap3A_54], %swap3A_57 {strides = array<i32>} : memref<16x1000x128xf32, #tpu.memory_space<vmem>>, vector<1x1000x128xf32>,
    %slice3A_58 = vector.extract_strided_slice %convert_element_type3A {offsets = [5, 0, 0], sizes = [1, 128, 128], strides = [1, 1, 1]} : vector<16x128x128xbf16> to vector<1x128x128xbf16>
    %squeeze3A_59 = vector.shape_cast %slice3A_58 : vector<1x128x128xbf16> to vector<128x128xbf16>
    %dot_general3A_60 = arith.constant dense<0.000000e+00> : vector<1000x128xf32>
    %dot_general3A_61 = tpu.matmul %convert_element_type3A_10, %squeeze3A_59, %dot_general3A_60 {dimension_numbers = #tpu.dot_dimension_numbers<[1], [0], [0], [1], [0, 0, 1, 1], [], []>, transpose_lhs_hint = false} : vector<1000x128xbf16>, vector<128x128xbf16>, vector<1000x128xf32> -> vector<1000x128xf32>
    %swap3A_62 = arith.constant 5 : index
    %swap3A_63 = arith.constant 0 : index
    %swap3A_64 = arith.constant 0 : index
    %swap3A_65 = vector.load %arg4[%swap3A_62, %swap3A_63, %swap3A_64] : memref<16x1000x128xf32, #tpu.memory_space<vmem>>, vector<1x1000x128xf32>
    %swap3A_66 = vector.shape_cast %swap3A_65 : vector<1x1000x128xf32> to vector<1000x128xf32>
    %swap3A_67 = vector.shape_cast %dot_general3A_61 : vector<1000x128xf32> to vector<1x1000x128xf32>
    tpu.vector_store %arg4[%swap3A_62, %swap3A_63, %swap3A_64], %swap3A_67 {strides = array<i32>} : memref<16x1000x128xf32, #tpu.memory_space<vmem>>, vector<1x1000x128xf32>,
    %slice3A_68 = vector.extract_strided_slice %convert_element_type3A {offsets = [6, 0, 0], sizes = [1, 128, 128], strides = [1, 1, 1]} : vector<16x128x128xbf16> to vector<1x128x128xbf16>
    %squeeze3A_69 = vector.shape_cast %slice3A_68 : vector<1x128x128xbf16> to vector<128x128xbf16>
    %dot_general3A_70 = arith.constant dense<0.000000e+00> : vector<1000x128xf32>
    %dot_general3A_71 = tpu.matmul %convert_element_type3A_10, %squeeze3A_69, %dot_general3A_70 {dimension_numbers = #tpu.dot_dimension_numbers<[1], [0], [0], [1], [0, 0, 1, 1], [], []>, transpose_lhs_hint = false} : vector<1000x128xbf16>, vector<128x128xbf16>, vector<1000x128xf32> -> vector<1000x128xf32>
    %swap3A_72 = arith.constant 6 : index
    %swap3A_73 = arith.constant 0 : index
    %swap3A_74 = arith.constant 0 : index
    %swap3A_75 = vector.load %arg4[%swap3A_72, %swap3A_73, %swap3A_74] : memref<16x1000x128xf32, #tpu.memory_space<vmem>>, vector<1x1000x128xf32>
    %swap3A_76 = vector.shape_cast %swap3A_75 : vector<1x1000x128xf32> to vector<1000x128xf32>
    %swap3A_77 = vector.shape_cast %dot_general3A_71 : vector<1000x128xf32> to vector<1x1000x128xf32>
    tpu.vector_store %arg4[%swap3A_72, %swap3A_73, %swap3A_74], %swap3A_77 {strides = array<i32>} : memref<16x1000x128xf32, #tpu.memory_space<vmem>>, vector<1x1000x128xf32>,
    %slice3A_78 = vector.extract_strided_slice %convert_element_type3A {offsets = [7, 0, 0], sizes = [1, 128, 128], strides = [1, 1, 1]} : vector<16x128x128xbf16> to vector<1x128x128xbf16>
    %squeeze3A_79 = vector.shape_cast %slice3A_78 : vector<1x128x128xbf16> to vector<128x128xbf16>
    %dot_general3A_80 = arith.constant dense<0.000000e+00> : vector<1000x128xf32>
    %dot_general3A_81 = tpu.matmul %convert_element_type3A_10, %squeeze3A_79, %dot_general3A_80 {dimension_numbers = #tpu.dot_dimension_numbers<[1], [0], [0], [1], [0, 0, 1, 1], [], []>, transpose_lhs_hint = false} : vector<1000x128xbf16>, vector<128x128xbf16>, vector<1000x128xf32> -> vector<1000x128xf32>
    %swap3A_82 = arith.constant 7 : index
    %swap3A_83 = arith.constant 0 : index
    %swap3A_84 = arith.constant 0 : index
    %swap3A_85 = vector.load %arg4[%swap3A_82, %swap3A_83, %swap3A_84] : memref<16x1000x128xf32, #tpu.memory_space<vmem>>, vector<1x1000x128xf32>
    %swap3A_86 = vector.shape_cast %swap3A_85 : vector<1x1000x128xf32> to vector<1000x128xf32>
    %swap3A_87 = vector.shape_cast %dot_general3A_81 : vector<1000x128xf32> to vector<1x1000x128xf32>
    tpu.vector_store %arg4[%swap3A_82, %swap3A_83, %swap3A_84], %swap3A_87 {strides = array<i32>} : memref<16x1000x128xf32, #tpu.memory_space<vmem>>, vector<1x1000x128xf32>,
    %slice3A_88 = vector.extract_strided_slice %convert_element_type3A {offsets = [8, 0, 0], sizes = [1, 128, 128], strides = [1, 1, 1]} : vector<16x128x128xbf16> to vector<1x128x128xbf16>
    %squeeze3A_89 = vector.shape_cast %slice3A_88 : vector<1x128x128xbf16> to vector<128x128xbf16>
    %dot_general3A_90 = arith.constant dense<0.000000e+00> : vector<1000x128xf32>
    %dot_general3A_91 = tpu.matmul %convert_element_type3A_10, %squeeze3A_89, %dot_general3A_90 {dimension_numbers = #tpu.dot_dimension_numbers<[1], [0], [0], [1], [0, 0, 1, 1], [], []>, transpose_lhs_hint = false} : vector<1000x128xbf16>, vector<128x128xbf16>, vector<1000x128xf32> -> vector<1000x128xf32>
    %swap3A_92 = arith.constant 8 : index
    %swap3A_93 = arith.constant 0 : index
    %swap3A_94 = arith.constant 0 : index
    %swap3A_95 = vector.load %arg4[%swap3A_92, %swap3A_93, %swap3A_94] : memref<16x1000x128xf32, #tpu.memory_space<vmem>>, vector<1x1000x128xf32>
    %swap3A_96 = vector.shape_cast %swap3A_95 : vector<1x1000x128xf32> to vector<1000x128xf32>
    %swap3A_97 = vector.shape_cast %dot_general3A_91 : vector<1000x128xf32> to vector<1x1000x128xf32>
    tpu.vector_store %arg4[%swap3A_92, %swap3A_93, %swap3A_94], %swap3A_97 {strides = array<i32>} : memref<16x1000x128xf32, #tpu.memory_space<vmem>>, vector<1x1000x128xf32>,
    %slice3A_98 = vector.extract_strided_slice %convert_element_type3A {offsets = [9, 0, 0], sizes = [1, 128, 128], strides = [1, 1, 1]} : vector<16x128x128xbf16> to vector<1x128x128xbf16>
    %squeeze3A_99 = vector.shape_cast %slice3A_98 : vector<1x128x128xbf16> to vector<128x128xbf16>
    %dot_general3A_100 = arith.constant dense<0.000000e+00> : vector<1000x128xf32>
    %dot_general3A_101 = tpu.matmul %convert_element_type3A_10, %squeeze3A_99, %dot_general3A_100 {dimension_numbers = #tpu.dot_dimension_numbers<[1], [0], [0], [1], [0, 0, 1, 1], [], []>, transpose_lhs_hint = false} : vector<1000x128xbf16>, vector<128x128xbf16>, vector<1000x128xf32> -> vector<1000x128xf32>
    %swap3A_102 = arith.constant 9 : index
    %swap3A_103 = arith.constant 0 : index
    %swap3A_104 = arith.constant 0 : index
    %swap3A_105 = vector.load %arg4[%swap3A_102, %swap3A_103, %swap3A_104] : memref<16x1000x128xf32, #tpu.memory_space<vmem>>, vector<1x1000x128xf32>
    %swap3A_106 = vector.shape_cast %swap3A_105 : vector<1x1000x128xf32> to vector<1000x128xf32>
    %swap3A_107 = vector.shape_cast %dot_general3A_101 : vector<1000x128xf32> to vector<1x1000x128xf32>
    tpu.vector_store %arg4[%swap3A_102, %swap3A_103, %swap3A_104], %swap3A_107 {strides = array<i32>} : memref<16x1000x128xf32, #tpu.memory_space<vmem>>, vector<1x1000x128xf32>,
    %slice3A_108 = vector.extract_strided_slice %convert_element_type3A {offsets = [10, 0, 0], sizes = [1, 128, 128], strides = [1, 1, 1]} : vector<16x128x128xbf16> to vector<1x128x128xbf16>
    %squeeze3A_109 = vector.shape_cast %slice3A_108 : vector<1x128x128xbf16> to vector<128x128xbf16>
    %dot_general3A_110 = arith.constant dense<0.000000e+00> : vector<1000x128xf32>
    %dot_general3A_111 = tpu.matmul %convert_element_type3A_10, %squeeze3A_109, %dot_general3A_110 {dimension_numbers = #tpu.dot_dimension_numbers<[1], [0], [0], [1], [0, 0, 1, 1], [], []>, transpose_lhs_hint = false} : vector<1000x128xbf16>, vector<128x128xbf16>, vector<1000x128xf32> -> vector<1000x128xf32>
    %swap3A_112 = arith.constant 10 : index
    %swap3A_113 = arith.constant 0 : index
    %swap3A_114 = arith.constant 0 : index
    %swap3A_115 = vector.load %arg4[%swap3A_112, %swap3A_113, %swap3A_114] : memref<16x1000x128xf32, #tpu.memory_space<vmem>>, vector<1x1000x128xf32>
    %swap3A_116 = vector.shape_cast %swap3A_115 : vector<1x1000x128xf32> to vector<1000x128xf32>
    %swap3A_117 = vector.shape_cast %dot_general3A_111 : vector<1000x128xf32> to vector<1x1000x128xf32>
    tpu.vector_store %arg4[%swap3A_112, %swap3A_113, %swap3A_114], %swap3A_117 {strides = array<i32>} : memref<16x1000x128xf32, #tpu.memory_space<vmem>>, vector<1x1000x128xf32>,
    %slice3A_118 = vector.extract_strided_slice %convert_element_type3A {offsets = [11, 0, 0], sizes = [1, 128, 128], strides = [1, 1, 1]} : vector<16x128x128xbf16> to vector<1x128x128xbf16>
    %squeeze3A_119 = vector.shape_cast %slice3A_118 : vector<1x128x128xbf16> to vector<128x128xbf16>
    %dot_general3A_120 = arith.constant dense<0.000000e+00> : vector<1000x128xf32>
    %dot_general3A_121 = tpu.matmul %convert_element_type3A_10, %squeeze3A_119, %dot_general3A_120 {dimension_numbers = #tpu.dot_dimension_numbers<[1], [0], [0], [1], [0, 0, 1, 1], [], []>, transpose_lhs_hint = false} : vector<1000x128xbf16>, vector<128x128xbf16>, vector<1000x128xf32> -> vector<1000x128xf32>
    %swap3A_122 = arith.constant 11 : index
    %swap3A_123 = arith.constant 0 : index
    %swap3A_124 = arith.constant 0 : index
    %swap3A_125 = vector.load %arg4[%swap3A_122, %swap3A_123, %swap3A_124] : memref<16x1000x128xf32, #tpu.memory_space<vmem>>, vector<1x1000x128xf32>
    %swap3A_126 = vector.shape_cast %swap3A_125 : vector<1x1000x128xf32> to vector<1000x128xf32>
    %swap3A_127 = vector.shape_cast %dot_general3A_121 : vector<1000x128xf32> to vector<1x1000x128xf32>
    tpu.vector_store %arg4[%swap3A_122, %swap3A_123, %swap3A_124], %swap3A_127 {strides = array<i32>} : memref<16x1000x128xf32, #tpu.memory_space<vmem>>, vector<1x1000x128xf32>,
    %slice3A_128 = vector.extract_strided_slice %convert_element_type3A {offsets = [12, 0, 0], sizes = [1, 128, 128], strides = [1, 1, 1]} : vector<16x128x128xbf16> to vector<1x128x128xbf16>
    %squeeze3A_129 = vector.shape_cast %slice3A_128 : vector<1x128x128xbf16> to vector<128x128xbf16>
    %dot_general3A_130 = arith.constant dense<0.000000e+00> : vector<1000x128xf32>
    %dot_general3A_131 = tpu.matmul %convert_element_type3A_10, %squeeze3A_129, %dot_general3A_130 {dimension_numbers = #tpu.dot_dimension_numbers<[1], [0], [0], [1], [0, 0, 1, 1], [], []>, transpose_lhs_hint = false} : vector<1000x128xbf16>, vector<128x128xbf16>, vector<1000x128xf32> -> vector<1000x128xf32>
    %swap3A_132 = arith.constant 12 : index
    %swap3A_133 = arith.constant 0 : index
    %swap3A_134 = arith.constant 0 : index
    %swap3A_135 = vector.load %arg4[%swap3A_132, %swap3A_133, %swap3A_134] : memref<16x1000x128xf32, #tpu.memory_space<vmem>>, vector<1x1000x128xf32>
    %swap3A_136 = vector.shape_cast %swap3A_135 : vector<1x1000x128xf32> to vector<1000x128xf32>
    %swap3A_137 = vector.shape_cast %dot_general3A_131 : vector<1000x128xf32> to vector<1x1000x128xf32>
    tpu.vector_store %arg4[%swap3A_132, %swap3A_133, %swap3A_134], %swap3A_137 {strides = array<i32>} : memref<16x1000x128xf32, #tpu.memory_space<vmem>>, vector<1x1000x128xf32>,
    %slice3A_138 = vector.extract_strided_slice %convert_element_type3A {offsets = [13, 0, 0], sizes = [1, 128, 128], strides = [1, 1, 1]} : vector<16x128x128xbf16> to vector<1x128x128xbf16>
    %squeeze3A_139 = vector.shape_cast %slice3A_138 : vector<1x128x128xbf16> to vector<128x128xbf16>
    %dot_general3A_140 = arith.constant dense<0.000000e+00> : vector<1000x128xf32>
    %dot_general3A_141 = tpu.matmul %convert_element_type3A_10, %squeeze3A_139, %dot_general3A_140 {dimension_numbers = #tpu.dot_dimension_numbers<[1], [0], [0], [1], [0, 0, 1, 1], [], []>, transpose_lhs_hint = false} : vector<1000x128xbf16>, vector<128x128xbf16>, vector<1000x128xf32> -> vector<1000x128xf32>
    %swap3A_142 = arith.constant 13 : index
    %swap3A_143 = arith.constant 0 : index
    %swap3A_144 = arith.constant 0 : index
    %swap3A_145 = vector.load %arg4[%swap3A_142, %swap3A_143, %swap3A_144] : memref<16x1000x128xf32, #tpu.memory_space<vmem>>, vector<1x1000x128xf32>
    %swap3A_146 = vector.shape_cast %swap3A_145 : vector<1x1000x128xf32> to vector<1000x128xf32>
    %swap3A_147 = vector.shape_cast %dot_general3A_141 : vector<1000x128xf32> to vector<1x1000x128xf32>
    tpu.vector_store %arg4[%swap3A_142, %swap3A_143, %swap3A_144], %swap3A_147 {strides = array<i32>} : memref<16x1000x128xf32, #tpu.memory_space<vmem>>, vector<1x1000x128xf32>,
    %slice3A_148 = vector.extract_strided_slice %convert_element_type3A {offsets = [14, 0, 0], sizes = [1, 128, 128], strides = [1, 1, 1]} : vector<16x128x128xbf16> to vector<1x128x128xbf16>
    %squeeze3A_149 = vector.shape_cast %slice3A_148 : vector<1x128x128xbf16> to vector<128x128xbf16>
    %dot_general3A_150 = arith.constant dense<0.000000e+00> : vector<1000x128xf32>
    %dot_general3A_151 = tpu.matmul %convert_element_type3A_10, %squeeze3A_149, %dot_general3A_150 {dimension_numbers = #tpu.dot_dimension_numbers<[1], [0], [0], [1], [0, 0, 1, 1], [], []>, transpose_lhs_hint = false} : vector<1000x128xbf16>, vector<128x128xbf16>, vector<1000x128xf32> -> vector<1000x128xf32>
    %swap3A_152 = arith.constant 14 : index
    %swap3A_153 = arith.constant 0 : index
    %swap3A_154 = arith.constant 0 : index
    %swap3A_155 = vector.load %arg4[%swap3A_152, %swap3A_153, %swap3A_154] : memref<16x1000x128xf32, #tpu.memory_space<vmem>>, vector<1x1000x128xf32>
    %swap3A_156 = vector.shape_cast %swap3A_155 : vector<1x1000x128xf32> to vector<1000x128xf32>
    %swap3A_157 = vector.shape_cast %dot_general3A_151 : vector<1000x128xf32> to vector<1x1000x128xf32>
    tpu.vector_store %arg4[%swap3A_152, %swap3A_153, %swap3A_154], %swap3A_157 {strides = array<i32>} : memref<16x1000x128xf32, #tpu.memory_space<vmem>>, vector<1x1000x128xf32>,
    %slice3A_158 = vector.extract_strided_slice %convert_element_type3A {offsets = [15, 0, 0], sizes = [1, 128, 128], strides = [1, 1, 1]} : vector<16x128x128xbf16> to vector<1x128x128xbf16>
    %squeeze3A_159 = vector.shape_cast %slice3A_158 : vector<1x128x128xbf16> to vector<128x128xbf16>
    %dot_general3A_160 = arith.constant dense<0.000000e+00> : vector<1000x128xf32>
    %dot_general3A_161 = tpu.matmul %convert_element_type3A_10, %squeeze3A_159, %dot_general3A_160 {dimension_numbers = #tpu.dot_dimension_numbers<[1], [0], [0], [1], [0, 0, 1, 1], [], []>, transpose_lhs_hint = false} : vector<1000x128xbf16>, vector<128x128xbf16>, vector<1000x128xf32> -> vector<1000x128xf32>
    %swap3A_162 = arith.constant 15 : index
    %swap3A_163 = arith.constant 0 : index
    %swap3A_164 = arith.constant 0 : index
    %swap3A_165 = vector.load %arg4[%swap3A_162, %swap3A_163, %swap3A_164] : memref<16x1000x128xf32, #tpu.memory_space<vmem>>, vector<1x1000x128xf32>
    %swap3A_166 = vector.shape_cast %swap3A_165 : vector<1x1000x128xf32> to vector<1000x128xf32>
    %swap3A_167 = vector.shape_cast %dot_general3A_161 : vector<1000x128xf32> to vector<1x1000x128xf32>
    tpu.vector_store %arg4[%swap3A_162, %swap3A_163, %swap3A_164], %swap3A_167 {strides = array<i32>} : memref<16x1000x128xf32, #tpu.memory_space<vmem>>, vector<1x1000x128xf32>,
    return
  }
  func.func @transform_0(%arg0: i32) -> (i32, i32) {
    %c0_i32 = arith.constant 0 : i32
    %c0_i32_0 = arith.constant 0 : i32
    %c0_i32_1 = arith.constant 0 : i32
    return %c0_i32, %c0_i32_0 : i32, i32
  }
  func.func @transform_1(%arg0: i32) -> (i32, i32, i32) {
    %c0_i32 = arith.constant 0 : i32
    %c0_i32_0 = arith.constant 0 : i32
    %c0_i32_1 = arith.constant 0 : i32
    %c0_i32_2 = arith.constant 0 : i32
    return %c0_i32, %c0_i32_0, %c0_i32_1 : i32, i32, i32
  }
  func.func @transform_2(%arg0: i32) -> (i32, i32) {
    %c0_i32 = arith.constant 0 : i32
    %c0_i32_0 = arith.constant 0 : i32
    return %arg0, %c0_i32 : i32, i32
  }
  func.func @transform_3(%arg0: i32) -> (i32, i32, i32) {
    %c0_i32 = arith.constant 0 : i32
    %c0_i32_0 = arith.constant 0 : i32
    %c0_i32_1 = arith.constant 0 : i32
    return %c0_i32, %arg0, %c0_i32_0 : i32, i32, i32
  }
}

</mosaic_0001>

<sc_bundles>
// kernel: kernel.5.cloned.1.call-start
scs
__scs_entry_jumppad:
0x0: {  	(pc) =	sbr.rel $0x88, $3  }
0x1: {  	(tag) =	ssettag $0x0;
	lr =	simm.s32 $0x1  }
0x2: {  	[smem:$0x3F9B] =	sst lr;
	_ =	strace $0xD0000000  }
0x3: {  	_ = 	snop  }
0x4: {  	_ = 	snop  }
0x5: {  	_ = 	snop  }
0x6: {  	_ = 	snop  }
0x7: {  	_ = 	snop  }
__scs_overlays_trampoline_lowered:
0x8: {  	[smem:$0x3FAA] =	sst s0  }
0x9: {  	[smem:$0x3FAB] =	sst s1  }
0xa: {  	[smem:$0x3FAC] =	sst s2  }
0xb: {  	[smem:$0x3FAD] =	sst s3  }
0xc: {  	[smem:$0x3FAE] =	sst s4  }
0xd: {  	[smem:$0x3FAF] =	sst s5  }
0xe: {  	[smem:$0x3FB0] =	sst s6  }
0xf: {  	[smem:$0x3FB1] =	sst s7  }
0x10: {  	[smem:$0x3FB2] =	sst s8  }
0x11: {  	[smem:$0x3FB3] =	sst s9;
	s0 =	simm.s32 @!p0 $0x0  }
0x12: {  	s1 =	sld [smem:$0x3F99];
	s0 =	simm.s32 @p0 $0x1  }
0x13: {  	[smem:$0x3FB4] =	sst s0;
	s0 =	simm.s32 @!p1 $0x0  }
0x14: {  	s2 =	sld [smem:$0x3F98];
	s0 =	simm.s32 @p1 $0x1  }
0x15: {  	[smem:$0x3FB5] =	sst s0;
	s0 =	simm.s32 @!p2 $0x0  }
0x16: {  	s3 =	sld [smem:$0x3FDB];
	s0 =	simm.s32 @p2 $0x1  }
0x17: {  	s4 =	simm.s32 $0x1BF5;
	[smem:$0x3FB7] =	sst s0  }
0x18: {  	s0 =	sld [smem:$0x3F9A];
	_ =	swait.ge [sflag:s4], $0x0  }
0x19: {  	s7 =	sld [smem:$0x3F9B]  }
0x1a: {  	s8 =	sadd.s32 $0xFFFFE003, lr  }
0x1b: {  	s9 =	sadd.s32 $0xFFFFFEF7, lr;
	s5 =	simm.s32 $0xFFFFFFFF;
	p2 =	slt.u32 s8, $0xFFFFF086  }
0x1c: {  	p1 =	slt.u32 s9, $0xF7A;
	s5 =	simm.s32 @!p2 $0x0  }
0x1d: {  	s5 =	simm.s32 @p1 $0x1;
	p0 =	seq.s32 s7, s2  }
0x1e: {  	s7 =	smul.u32 @!p0 $0xF7A, s2;
	p2 =	seq.s32 @!p0 s5, $0x0  }
0x1f: {  	s9 =	smul.u32 $0xF7A, s1;
	s8 =	simm.s32 @!p0 $0x1BF5;
	p2 =	por !p2, p0  }
0x20: {  	[sflag:s8] =	ssyncset.s32 @!p0 $0xFFFFF086;
	s6 =	sadd.s32 @!p0 s3, s7;
	s7 =	simm.s32 @!p0 $0x108  }
0x21: {  	s3 =	sadd.s32 s3, s9;
	s6 =	sadd.s32 @!p0 $0x88, s6;
	s7 =	simm.s32 @p2 $0x1082  }
0x22: {  	[simem:s7], [sflag:s8] =	dma.local @!p0 [hbm:s6], $0xF7A  }
0x23: {  	s9 =	sor.u32 $0xD0000000, s2;
	s6 =	simm.s32 $0x108;
	_ =	swait.ge @!p0 [sflag:s8], $0x0  }
0x24: {  	s3 =	sadd.s32 $0x88, s3;
	s6 =	simm.s32 @!p1 $0x1082;
	[sflag:s4] =	ssyncset.s32 $0xFFFFF086  }
0x25: {  	[simem:s6], [sflag:s4] =	dma.local [hbm:s3], $0xF7A  }
0x26: {  	[smem:$0x3F9B] =	sst s1;
	(tag) =	ssettag s2;
	_ =	strace s9  }
0x27: {  	s1 =	sld [smem:$0x3FAB]  }
0x28: {  	s2 =	sld [smem:$0x3FAC]  }
0x29: {  	s4 =	sld [smem:$0x3FAE]  }
0x2a: {  	p0 =	seq.s32 s5, $0x0;
	s5 =	sld [smem:$0x3FAF]  }
0x2b: {  	s6 =	sld [smem:$0x3FB0]  }
0x2c: {  	s7 =	sld [smem:$0x3FB1]  }
0x2d: {  	s3 =	simm.s32 $0x108;
	s8 =	sld [smem:$0x3FB2]  }
0x2e: {  	s3 =	simm.s32 @!p0 $0x1082;
	s9 =	sld [smem:$0x3FB3]  }
0x2f: {  	lr =	sadd.s32 s0, s3;
	s0 =	sld [smem:$0x3FAA]  }
0x30: {  	s3 =	sld [smem:$0x3FAD]  }
0x31: {  	[smem:$0x3FB6] =	sst s10  }
0x32: {  	s10 =	sld [smem:$0x3FB4];
	_ =	sdelay $0x3  }
0x33: {  	p0 =	seq.s32 s10, $0x1;
	s10 =	sld [smem:$0x3FB6];
	_ =	sdelay $0x3  }
0x34: {  	[smem:$0x3FB6] =	sst s10  }
0x35: {  	s10 =	sld [smem:$0x3FB5];
	_ =	sdelay $0x3  }
0x36: {  	p1 =	seq.s32 s10, $0x1;
	s10 =	sld [smem:$0x3FB6];
	_ =	sdelay $0x3  }
0x37: {  	[smem:$0x3FB6] =	sst s10  }
0x38: {  	s10 =	sld [smem:$0x3FB7]  }
0x39: {  	_ = 	snop;
	(pc) =	sbr.ind lr, $3  }
0x3a: {  	_ = 	snop  }
0x3b: {  	_ = 	snop  }
0x3c: {  	p2 =	seq.s32 s10, $0x1;
	s10 =	sld [smem:$0x3FB6]  }
0x3d: {  	_ =	shalt  }
0x3e: {  	_ =	shalt  }
0x3f: {  	_ =	shalt  }
0x40: {  	_ =	shalt  }
0x41: {  	_ =	shalt  }
0x42: {  	_ =	shalt  }
0x43: {  	_ =	shalt  }
0x44: {  	_ =	shalt  }
0x45: {  	_ =	shalt  }
0x46: {  	_ =	shalt  }
0x47: {  	_ =	shalt  }
0x48: {  	_ =	shalt  }
0x49: {  	_ =	shalt  }
0x4a: {  	_ =	shalt  }
0x4b: {  	_ =	shalt  }
0x4c: {  	_ =	shalt  }
0x4d: {  	_ =	shalt  }
0x4e: {  	_ =	shalt  }
0x4f: {  	_ =	shalt  }
0x50: {  	_ =	shalt  }
0x51: {  	_ =	shalt  }
0x52: {  	_ =	shalt  }
0x53: {  	_ =	shalt  }
0x54: {  	_ =	shalt  }
0x55: {  	_ =	shalt  }
0x56: {  	_ =	shalt  }
0x57: {  	_ =	shalt  }
0x58: {  	_ =	shalt  }
0x59: {  	_ =	shalt  }
0x5a: {  	_ =	shalt  }
0x5b: {  	_ =	shalt  }
0x5c: {  	_ =	shalt  }
0x5d: {  	_ =	shalt  }
0x5e: {  	_ =	shalt  }
0x5f: {  	_ =	shalt  }
0x60: {  	_ =	shalt  }
0x61: {  	_ =	shalt  }
0x62: {  	_ =	shalt  }
0x63: {  	_ =	shalt  }
0x64: {  	_ =	shalt  }
0x65: {  	_ =	shalt  }
0x66: {  	_ =	shalt  }
0x67: {  	_ =	shalt  }
0x68: {  	_ =	shalt  }
0x69: {  	_ =	shalt  }
0x6a: {  	_ =	shalt  }
0x6b: {  	_ =	shalt  }
0x6c: {  	_ =	shalt  }
0x6d: {  	_ =	shalt  }
0x6e: {  	_ =	shalt  }
0x6f: {  	_ =	shalt  }
0x70: {  	_ =	shalt  }
0x71: {  	_ =	shalt  }
0x72: {  	_ =	shalt  }
0x73: {  	_ =	shalt  }
0x74: {  	_ =	shalt  }
0x75: {  	_ =	shalt  }
0x76: {  	_ =	shalt  }
0x77: {  	_ =	shalt  }
0x78: {  	_ =	shalt  }
0x79: {  	_ =	shalt  }
0x7a: {  	_ =	shalt  }
0x7b: {  	_ =	shalt  }
0x7c: {  	_ =	shalt  }
0x7d: {  	_ =	shalt  }
0x7e: {  	_ =	shalt  }
0x7f: {  	_ =	shalt  }
0x80: {  	_ =	shalt  }
0x81: {  	_ =	shalt  }
0x82: {  	_ =	shalt  }
0x83: {  	_ =	shalt  }
0x84: {  	_ =	shalt  }
0x85: {  	_ =	shalt  }
0x86: {  	_ =	shalt  }
0x87: {  	_ =	shalt  }
.Lfunc_end0:
.L_simem_size_0:
called_computation_lowered:
.L_overlay_start_0:
0x88: {  	s2 =	sld [smem:$0x3FD9]  }
0x89: {  	s3 =	sld [smem:$0x3FFE];
	_ =	sdelay $0x1  }
0x8a: {  	s1 =	srdreg.scid  }
0x8b: {  	s0 =	sand.u32 $0x1, s1  }
0x8c: {  	s17 =	sshll.u32 s0, $0xA;
	s2 =	sadd.s32 s3, s2  }
0x8d: {  	s2 =	sadd.s32 s2, s17  }
0x8e: {  	[smem:$0x3FC2] =	sst s2  }
0x8f: {  	_ = 	snop  }
0x90: {  	s2 =	sld [smem:$0x3FC7]  }
0x91: {  	s18 =	sld [smem:$0x3FD0];
	(tm) =	ssettm $0x1  }
0x92: {  	s4 =	sld [smem:$0x3FFB];
	_ =	sdelay $0x3  }
0x93: {  	_ =	strace s4  }
0x94: {  	s4 =	sld [smem:$0x3FFC];
	_ =	sdelay $0x3  }
0x95: {  	_ =	strace s4  }
0x96: {  	s4 =	sld [smem:$0x3FFD];
	_ =	sdelay $0x3  }
0x97: {  	_ =	strace s4  }
0x98: {  	_ =	strace $0x8FFFFFFF  }
0x99: {  	s19 =	sld [smem:$0x3FDB];
	_ =	sdelay $0x1  }
0x9a: {  	s5 =	simm.s32 $_scs_section_size  }
0x9b: {  	s6 =	simm.s32 $_size__tile_overlayer_lowered;
	s7 =	simm.s32 $_tile_overlayer_lowered  }
0x9c: {  	s22 =	simm.s32 $0x1BFF;
	s21 =	sshll.u32 s7, $0x1;
	s4 =	sadd.s32 s5, s19  }
0x9d: {  	s8 =	simm.s32 $0x0;
	s20 =	sshll.u32 s6, $0x1;
	s6 =	sadd.s32 s21, s4  }
0x9e: {  	[timem:s8], [sflag:s22] =	dma.local [hbm:s6], s20  }
0x9f: {  	_ =	swait.ge [sflag:s22], s20  }
0xa0: {  	s5 =	ssub.s32 $0x0, s20;
	[sflag:s22] =	ssyncset.done $0x0  }
0xa1: {  	[sflag:s22] =	ssyncadd.s32 s5;
	_ =	sdelay $0x1  }
0xa2: {  	s23 =	simm.s32 $0x1B8B  }
0xa3: {  	_ =	swait.ge [sflag:s23], $0x1  }
0xa4: {  	[sflag:s23] =	ssyncset.done $0x0  }
0xa5: {  	s25 =	simm.s32 $0x1B8E;
	s24 =	sld [smem:$0x3FFE];
	[sflag:s23] =	ssyncadd.s32 $0xFFFFFFFF  }
0xa6: {  	s26 =	simm.s32 $execute0_lowered;
	[smem:$0x3FD2] =	sst s25  }
0xa7: {  	s6 =	sshll.u32 s26, $0x1;
	_ =	strace $0x80000046;
	[dreg:$0x1] =	wrdreg $0xFFFFFFFF  }
0xa8: {  	s28 =	simm.s32 $_size_execute0_lowered;
	s4 =	sadd.s32 s4, s6;
	[dreg:$0x0] =	wrdreg $0x0  }
0xa9: {  	s6 =	sshll.u32 s28, $0x1;
	[dreg:$0x2] =	wrdreg s4  }
0xaa: {  	[dreg:$0x3] =	wrdreg s6  }
0xab: {  	[dreg:$0x4] =	wrdreg $0xC0  }
0xac: {  	_ =	task [dreg:s8], $0x5FFFF  }
0xad: {  	[dreg:$0x1] =	wrdreg $0xFFFFFFFF  }
0xae: {  	[dreg:$0x0] =	wrdreg $0x60  }
0xaf: {  	[dreg:$0x2] =	wrdreg s18  }
0xb0: {  	[dreg:$0x3] =	wrdreg s2  }
0xb1: {  	[dreg:$0x4] =	wrdreg s24  }
0xb2: {  	[dreg:$0x5] =	wrdreg $0xBB000  }
0xb3: {  	[dreg:$0x6] =	wrdreg $0x9  }
0xb4: {  	_ =	task.clear_ibuf [dreg:s8], $0x7FFFF;
	_ =	strace $0x90000046  }
0xb5: {  	s29 =	simm.s32 $0x9;
	_ =	strace $0x80000048  }
0xb6: {  	_ =	swait.ge [sflag:s29], $0x1  }
0xb7: {  	[sflag:s29] =	ssyncadd.s32 $0xFFFFFFFF  }
0xb8: {  	_ =	strace $0x90000048  }
0xb9: {  	_ =	sfence  }
0xba: {  	s30 =	sld [smem:$0x0];
	_ =	sdelay $0x2  }
0xbb: {  	s31 =	sshll.u32 s1, $0xD;
	s1 =	sshrl.u32 s1, $0x2  }
0xbc: {  	s3 =	sand.u32 $0x4000, s31;
	s1 =	sadd.s32 s1, s30  }
0xbd: {  	s0 =	sor.u32 s3, s0;
	s1 =	sshll.u32 s1, $0x11  }
0xbe: {  	s0 =	sor.u32 s1, s0  }
0xbf: {  	s0 =	sadd.s32 $0x8F2B, s0  }
0xc0: {  	[sflag:s0] =	ssyncadd.remote.s32 $0x1  }
0xc1: {  	_ =	sfence.sel $0xFFFF  }
0xc2: {  	[dreg:$0x0] =	wrdreg $0xFFFFFFFF;
	(pc) =	sbr.abs _section_cstart, $3  }
0xc3: {  	[dreg:$0x1] =	wrdreg $0xFFFFFFFF  }
0xc4: {  	_ =	task.clear_ibuf [dreg:s8], $0x2FFFF;
	_ =	strace $0x9FFFFFFF  }
0xc5: {  	(tm) =	ssettm $0x7FFFFFFF  }
tec
execute0_lowered:
.L_overlay_start_1:
0x0: {  	(tag) =	ssettag $0x1  }
0x1: {  	s0 =	rddreg [dreg:$0x0]  }
0x2: {  	s1 =	rddreg [dreg:$0x1];
	s10 =	stileid.u32  }
0x3: {  	s3 =	srdreg.scid;
	s7 =	smul.u32 $0x14000, s10  }
0x4: {  	s5 =	rddreg [dreg:$0x2];
	s6 =	sand.u32 $0x1, s3;
	s8 =	smul.u32 $0x50000, s10  }
0x5: {  	s2 =	rddreg [dreg:$0x3];
	s3 =	simm.s32 $0x0;
	s4 =	smul.u32 $0x140000, s6  }
0x6: {  	[smem:$0x7FF] =	sst s3;
	s9 =	ssub.s32 $0x2, s6  }
0x7: {  	s25 =	sshrl.u32 s9, $0x1;
	s8 =	sshrl.u32 s8, $0x2;
	s7 =	sadd.s32 s7, s4  }
0x8: {  	s4 =	sadd.s32 $0xC00, s5;
	s9 =	ssub.s32 s9, s25;
	s7 =	sshrl.u32 s7, $0x3  }
0x9: {  	s25 =	smax.u32 s9, $0x1;
	s7 =	sadd.s32 s7, s5;
	s5 =	sadd.s32 s8, s2  }
0xa: {  	_ =	strace $0x80000047;
	[dreg:$0x17] =	wrdreg s25;
	s8 =	sadd.s32 $0x1400, s5  }
0xb: {  	s26 =	sadd.s32 $0x2800, s5;
	[dreg:$0x5] =	wrdreg s8  }
0xc: {  	s6 =	sshll.u32 s6, $0x4;
	s28 =	sadd.s32 $0x3C00, s5;
	[dreg:$0x6] =	wrdreg s26  }
0xd: {  	s6 =	sor.u32 s10, s6;
	s10 =	sadd.s32 $0x5000, s5;
	[dreg:$0x7] =	wrdreg s28  }
0xe: {  	s11 =	sadd.s32 $0x6400, s5;
	[dreg:$0x8] =	wrdreg s10  }
0xf: {  	s12 =	sadd.s32 $0x7800, s5;
	[dreg:$0x9] =	wrdreg s11  }
0x10: {  	s13 =	sadd.s32 $0x8C00, s5;
	[dreg:$0xa] =	wrdreg s12  }
0x11: {  	s14 =	sadd.s32 $0xA000, s5;
	[dreg:$0xb] =	wrdreg s13  }
0x12: {  	s15 =	sadd.s32 $0xB400, s5;
	[dreg:$0xc] =	wrdreg s14  }
0x13: {  	s16 =	sadd.s32 $0xC800, s5;
	[dreg:$0xd] =	wrdreg s15  }
0x14: {  	s17 =	sadd.s32 $0xDC00, s5;
	[dreg:$0xe] =	wrdreg s16  }
0x15: {  	s18 =	sadd.s32 $0xF000, s5;
	[dreg:$0xf] =	wrdreg s17  }
0x16: {  	s6 =	smul.u32 $0x2710, s6;
	s19 =	sadd.s32 $0x10400, s5;
	[dreg:$0x10] =	wrdreg s18  }
0x17: {  	s31 =	simm.s32 $0x5700;
	s20 =	sadd.s32 $0x11800, s5;
	[dreg:$0x11] =	wrdreg s19  }
0x18: {  	s6 =	sshrl.u32 s6, $0x3;
	s21 =	sadd.s32 $0x12C00, s5;
	[dreg:$0x12] =	wrdreg s20  }
0x19: {  	s9 =	simm.s32 $0x7F00;
	s22 =	sadd.s32 s1, s6;
	[dreg:$0x13] =	wrdreg s21  }
0x1a: {  	s25 =	simm.s32 $0x2F80;
	s24 =	sadd.s32 $0x271C00, s7;
	[dreg:$0x14] =	wrdreg s22  }
0x1b: {  	s7 =	simm.s32 $0x28;
	s20 =	sadd.s32 s0, s6;
	[dreg:$0x16] =	wrdreg s24  }
0x1c: {  	s0 =	simm.s32 $0xB;
	s6 =	simm.s32 $0x2780;
	s8 =	simm.s32 $0x6B00  }
0x1d: {  	s10 =	simm.s32 $0x9300;
	s11 =	simm.s32 $0xA700;
	s12 =	simm.s32 $0x1  }
0x1e: {  	s13 =	simm.s32 $0x2;
	s14 =	simm.s32 $0x6;
	s15 =	simm.s32 $0x3  }
.Ltmp0:
0x1f: {  	s16 =	simm.s32 $0x7;
	s17 =	simm.s32 $0x4;
	(pc) =	sbr.rel .LBB2_1-.Ltmp0, $4  }
0x20: {  	s18 =	simm.s32 $0x8;
	s19 =	simm.s32 $0x5;
	s23 =	sadd.s32 $0x9C40, s20  }
0x21: {  	s21 =	simm.s32 $0x9;
	s26 =	sadd.s32 $0xFA, s20;
	[dreg:$0x15] =	wrdreg s23  }
0x22: {  	s22 =	simm.s32 $0xA;
	s28 =	sadd.s32 $0x1F4, s20;
	[dreg:$0x18] =	wrdreg s26  }
0x23: {  	v0 =	vimm.f32 $0.0e+00;
	s29 =	sadd.s32 $0x2EE, s20;
	s30 =	sadd.s32 $0x3E8, s20;
	[dreg:$0x19] =	wrdreg s28  }
.LBB2_16:
0x24: {  	_ =	swait.ge [sflag:s19], $0x1400  }
0x25: {  	[sflag:s19] =	ssyncset.done $0x0  }
0x26: {  	[sflag:s19] =	ssyncadd.s32 $0xFFFFEC00  }
0x27: {  	[spmem:s2] =	stream.indirect.scatter.add.f32 [tilespmem:s11], [sflag:$0xA], $0x80, s1, s7, $0xb8;
	[tilespmem:$0x1FB00] =	vst v63  }
0x28: {  	_ =	swait.ge [sflag:s21], $0x1400  }
0x29: {  	[sflag:s21] =	ssyncset.done $0x0  }
0x2a: {  	[sflag:s21] =	ssyncadd.s32 $0xFFFFEC00  }
0x2b: {  	_ =	swait.ge [sflag:s22], $0x1400  }
0x2c: {  	[sflag:s22] =	ssyncset.done $0x0  }
0x2d: {  	s26 =	stileid.u32;
	[sflag:s22] =	ssyncadd.s32 $0xFFFFEC00  }
0x2e: {  	s1 =	sshll.u32 s26, $0x6;
	[bflag:$0x0] =	sbarrier.arrive $0xFFFF  }
0x2f: {  	s23 =	sshrl.u32 s5, $0x3;
	s1 =	sor.u32 $0x1C0B, s1;
	s24 =	rddreg [dreg:$0x16]  }
0x30: {  	[hbm:s24], [sflag:s1] =	dma.local [spmem:s23], $0x2800  }
0x31: {  	_ =	swait.ge [sflag:s0], $0x2800  }
0x32: {  	s3 =	sadd.s32 $0x1, s3;
	s28 =	rddreg [dreg:$0x17]  }
0x33: {  	p0 =	sne.s32 s3, s28  }
.Ltmp1:
0x34: {  	_ = 	snop;
	(pc) =	sbr.rel @!p0 .LBB2_17-.Ltmp1, $3  }
0x35: {  	_ =	sdelay $0x1  }
0x36: {  	[sflag:s0] =	ssyncset.done $0x0  }
0x37: {  	s25 =	simm.s32 $0x2F80;
	[sflag:s0] =	ssyncadd.s32 $0xFFFFD800  }
.LBB2_1:
0x38: {  	s23 =	simm.s32 $0x0;
	s24 =	simm.s32 $0x200  }
.LBB2_2:
0x39: {  	p0 =	sne.s32 s24, $0x4E00;
	[tilespmem:s23+$0x5770] =	vst v0  }
0x3a: {  	[tilespmem:s23+$0x5700] =	vst v0  }
0x3b: {  	[tilespmem:s23+$0x5710] =	vst v0  }
.Ltmp2:
0x3c: {  	[tilespmem:s23+$0x5720] =	vst v0;
	(pc) =	sbr.rel @p0 .LBB2_2-.Ltmp2, $4  }
0x3d: {  	[tilespmem:s23+$0x5730] =	vst v0  }
0x3e: {  	[tilespmem:s23+$0x5740] =	vst v0  }
0x3f: {  	[tilespmem:s23+$0x5750] =	vst v0  }
0x40: {  	[tilespmem:s23+$0x5760] =	vst v0;
	s23 =	sshra.s32 s24, $0x2;
	s24 =	sadd.s32 $0x200, s24  }
0x41: {  	[tilespmem:s23+$0x5770] =	vst v0  }
0x42: {  	[tilespmem:s23+$0x5700] =	vst v0  }
0x43: {  	[tilespmem:s23+$0x5710] =	vst v0  }
0x44: {  	[tilespmem:s23+$0x5720] =	vst v0  }
0x45: {  	[tilespmem:s23+$0x5730] =	vst v0  }
0x46: {  	[tilespmem:s23+$0x5740] =	vst v0  }
0x47: {  	[tilespmem:s23+$0x5750] =	vst v0  }
0x48: {  	[tilespmem:s23+$0x5760] =	vst v0  }
0x49: {  	[spmem:s5] =	stream.linear.scatter [tilespmem:s31], [sflag:$0xB], $0x1400, $0x38;
	[tilespmem:$0x1FB00] =	vst v63  }
0x4a: {  	_ =	swait.ge [sflag:s0], $0x1400  }
0x4b: {  	[sflag:s0] =	ssyncset.done $0x0  }
0x4c: {  	s1 =	rddreg [dreg:$0x5];
	[sflag:s0] =	ssyncadd.s32 $0xFFFFEC00  }
0x4d: {  	[spmem:s1] =	stream.linear.scatter [tilespmem:s31], [sflag:$0xB], $0x1400, $0x38;
	[tilespmem:$0x1FB00] =	vst v63  }
0x4e: {  	_ =	swait.ge [sflag:s0], $0x1400  }
0x4f: {  	[sflag:s0] =	ssyncset.done $0x0  }
0x50: {  	s28 =	rddreg [dreg:$0x6];
	[sflag:s0] =	ssyncadd.s32 $0xFFFFEC00  }
0x51: {  	[spmem:s28] =	stream.linear.scatter [tilespmem:s31], [sflag:$0xB], $0x1400, $0x38;
	[tilespmem:$0x1FB00] =	vst v63  }
0x52: {  	_ =	swait.ge [sflag:s0], $0x1400  }
0x53: {  	[sflag:s0] =	ssyncset.done $0x0  }
0x54: {  	s23 =	rddreg [dreg:$0x7];
	[sflag:s0] =	ssyncadd.s32 $0xFFFFEC00  }
0x55: {  	[spmem:s23] =	stream.linear.scatter [tilespmem:s31], [sflag:$0xB], $0x1400, $0x38;
	[tilespmem:$0x1FB00] =	vst v63  }
0x56: {  	_ =	swait.ge [sflag:s0], $0x1400  }
0x57: {  	[sflag:s0] =	ssyncset.done $0x0  }
0x58: {  	s24 =	rddreg [dreg:$0x8];
	[sflag:s0] =	ssyncadd.s32 $0xFFFFEC00  }
0x59: {  	[spmem:s24] =	stream.linear.scatter [tilespmem:s31], [sflag:$0xB], $0x1400, $0x38;
	[tilespmem:$0x1FB00] =	vst v63  }
0x5a: {  	_ =	swait.ge [sflag:s0], $0x1400  }
0x5b: {  	[sflag:s0] =	ssyncset.done $0x0  }
0x5c: {  	s26 =	rddreg [dreg:$0x9];
	[sflag:s0] =	ssyncadd.s32 $0xFFFFEC00  }
0x5d: {  	[spmem:s26] =	stream.linear.scatter [tilespmem:s31], [sflag:$0xB], $0x1400, $0x38;
	[tilespmem:$0x1FB00] =	vst v63  }
0x5e: {  	_ =	swait.ge [sflag:s0], $0x1400  }
0x5f: {  	[sflag:s0] =	ssyncset.done $0x0  }
0x60: {  	s28 =	rddreg [dreg:$0xa];
	[sflag:s0] =	ssyncadd.s32 $0xFFFFEC00  }
0x61: {  	[spmem:s28] =	stream.linear.scatter [tilespmem:s31], [sflag:$0xB], $0x1400, $0x38;
	[tilespmem:$0x1FB00] =	vst v63  }
0x62: {  	_ =	swait.ge [sflag:s0], $0x1400  }
0x63: {  	[sflag:s0] =	ssyncset.done $0x0  }
0x64: {  	s23 =	rddreg [dreg:$0xb];
	[sflag:s0] =	ssyncadd.s32 $0xFFFFEC00  }
0x65: {  	[spmem:s23] =	stream.linear.scatter [tilespmem:s31], [sflag:$0xB], $0x1400, $0x38;
	[tilespmem:$0x1FB00] =	vst v63  }
0x66: {  	_ =	swait.ge [sflag:s0], $0x1400  }
0x67: {  	[sflag:s0] =	ssyncset.done $0x0  }
0x68: {  	s24 =	rddreg [dreg:$0xc];
	[sflag:s0] =	ssyncadd.s32 $0xFFFFEC00  }
0x69: {  	[spmem:s24] =	stream.linear.scatter [tilespmem:s31], [sflag:$0xB], $0x1400, $0x38;
	[tilespmem:$0x1FB00] =	vst v63  }
0x6a: {  	_ =	swait.ge [sflag:s0], $0x1400  }
0x6b: {  	[sflag:s0] =	ssyncset.done $0x0  }
0x6c: {  	s26 =	rddreg [dreg:$0xd];
	[sflag:s0] =	ssyncadd.s32 $0xFFFFEC00  }
0x6d: {  	[spmem:s26] =	stream.linear.scatter [tilespmem:s31], [sflag:$0xB], $0x1400, $0x38;
	[tilespmem:$0x1FB00] =	vst v63  }
0x6e: {  	_ =	swait.ge [sflag:s0], $0x1400  }
0x6f: {  	[sflag:s0] =	ssyncset.done $0x0  }
0x70: {  	s28 =	rddreg [dreg:$0xe];
	[sflag:s0] =	ssyncadd.s32 $0xFFFFEC00  }
0x71: {  	[spmem:s28] =	stream.linear.scatter [tilespmem:s31], [sflag:$0xB], $0x1400, $0x38;
	[tilespmem:$0x1FB00] =	vst v63  }
0x72: {  	_ =	swait.ge [sflag:s0], $0x1400  }
0x73: {  	[sflag:s0] =	ssyncset.done $0x0  }
0x74: {  	s23 =	rddreg [dreg:$0xf];
	[sflag:s0] =	ssyncadd.s32 $0xFFFFEC00  }
0x75: {  	[spmem:s23] =	stream.linear.scatter [tilespmem:s31], [sflag:$0xB], $0x1400, $0x38;
	[tilespmem:$0x1FB00] =	vst v63  }
0x76: {  	_ =	swait.ge [sflag:s0], $0x1400  }
0x77: {  	[sflag:s0] =	ssyncset.done $0x0  }
0x78: {  	s24 =	rddreg [dreg:$0x10];
	[sflag:s0] =	ssyncadd.s32 $0xFFFFEC00  }
0x79: {  	[spmem:s24] =	stream.linear.scatter [tilespmem:s31], [sflag:$0xB], $0x1400, $0x38;
	[tilespmem:$0x1FB00] =	vst v63  }
0x7a: {  	_ =	swait.ge [sflag:s0], $0x1400  }
0x7b: {  	[sflag:s0] =	ssyncset.done $0x0  }
0x7c: {  	s26 =	rddreg [dreg:$0x11];
	[sflag:s0] =	ssyncadd.s32 $0xFFFFEC00  }
0x7d: {  	[spmem:s26] =	stream.linear.scatter [tilespmem:s31], [sflag:$0xB], $0x1400, $0x38;
	[tilespmem:$0x1FB00] =	vst v63  }
0x7e: {  	_ =	swait.ge [sflag:s0], $0x1400  }
0x7f: {  	[sflag:s0] =	ssyncset.done $0x0  }
0x80: {  	s28 =	rddreg [dreg:$0x12];
	[sflag:s0] =	ssyncadd.s32 $0xFFFFEC00  }
0x81: {  	[spmem:s28] =	stream.linear.scatter [tilespmem:s31], [sflag:$0xB], $0x1400, $0x38;
	[tilespmem:$0x1FB00] =	vst v63  }
0x82: {  	_ =	swait.ge [sflag:s0], $0x1400  }
0x83: {  	[sflag:s0] =	ssyncset.done $0x0  }
0x84: {  	s23 =	rddreg [dreg:$0x13];
	[sflag:s0] =	ssyncadd.s32 $0xFFFFEC00  }
0x85: {  	[spmem:s23] =	stream.linear.scatter [tilespmem:s31], [sflag:$0xB], $0x1400, $0x38;
	[tilespmem:$0x1FB00] =	vst v63  }
0x86: {  	_ =	swait.ge [sflag:s0], $0x1400  }
0x87: {  	[sflag:s0] =	ssyncset.done $0x0  }
0x88: {  	s24 =	simm.s32 $0x0;
	s26 =	rddreg [dreg:$0x14];
	[sflag:s0] =	ssyncadd.s32 $0xFFFFEC00  }
0x89: {  	[tilespmem:s24], [sflag:$0xB] =	stream.linear.gather [hbm4b:s26+s24], $0x2710, $0x38;
	[tilespmem:$0x1FB00] =	vst v63  }
0x8a: {  	_ =	swait.ge [sflag:s0], $0x2710  }
0x8b: {  	[sflag:s0] =	ssyncset.done $0x0  }
0x8c: {  	s28 =	rddreg [dreg:$0x15];
	[sflag:s0] =	ssyncadd.s32 $0xFFFFD8F0  }
0x8d: {  	[tilespmem:s25], [sflag:$0xB] =	stream.linear.gather [hbm4b:s28+s24], $0x2710, $0x38;
	[tilespmem:$0x1FB00] =	vst v63  }
0x8e: {  	_ =	swait.ge [sflag:s0], $0x2710  }
0x8f: {  	[sflag:s0] =	ssyncset.done $0x0  }
0x90: {  	[sflag:s0] =	ssyncadd.s32 $0xFFFFD8F0  }
0x91: {  	[tilespmem:s6], [sflag:$0xB] =	stream.linear.gather [hbm4b:s20+s24], $0x7D0, $0x38;
	[tilespmem:$0x1FB00] =	vst v63  }
0x92: {  	_ =	swait.ge [sflag:s0], $0x7D0  }
0x93: {  	[sflag:s0] =	ssyncset.done $0x0  }
0x94: {  	s23 =	simm.s32 $0x0;
	s24 =	simm.s32 $0x40;
	[sflag:s0] =	ssyncadd.s32 $0xFFFFF830  }
.LBB2_4:
0x95: {  	p0 =	sne.s32 s24, $0x1F00;
	v1 =	vld [tilespmem:s23+$0x0];
	_ =	sdelay $0x1  }
0x96: {  	v2 =	vld [tilespmem:s23+$0x2780];
	_ =	sdelay $0x1  }
.Ltmp3:
0x97: {  	(pc) =	sbr.rel @p0 .LBB2_4-.Ltmp3, $3  }
0x98: {  	v1 =	vmul.u32 $0x2710, v1;
	_ =	sdelay $0x1  }
0x99: {  	v1 =	vadd.s32 v2, v1  }
0x9a: {  	[tilespmem:s23+$0x0] =	vst v1;
	s23 =	sshra.s32 s24, $0x2;
	s24 =	sadd.s32 $0x40, s24  }
0x9b: {  	v1 =	vld [tilespmem:s23+$0x0];
	_ =	sdelay $0x1  }
0x9c: {  	v2 =	vld [tilespmem:s23+$0x2780];
	_ =	sdelay $0x2  }
0x9d: {  	v1 =	vmul.u32 $0x2710, v1;
	_ =	sdelay $0x1  }
0x9e: {  	v1 =	vadd.s32 v2, v1  }
0x9f: {  	s1 =	simm.s32 $0x0;
	s28 =	rddreg [dreg:$0x18];
	[tilespmem:s23+$0x0] =	vst v1  }
0xa0: {  	[tilespmem:s6], [sflag:$0xB] =	stream.linear.gather [hbm4b:s28+s1], $0x7D0, $0x38;
	[tilespmem:$0x1FB00] =	vst v63  }
0xa1: {  	_ =	swait.ge [sflag:s0], $0x7D0  }
0xa2: {  	[sflag:s0] =	ssyncset.done $0x0  }
0xa3: {  	s24 =	simm.s32 $0x40;
	s23 =	simm.s32 $0x0;
	[sflag:s0] =	ssyncadd.s32 $0xFFFFF830  }
.LBB2_6:
0xa4: {  	p0 =	sne.s32 s24, $0x1F00;
	v1 =	vld [tilespmem:s23+$0x7D0];
	_ =	sdelay $0x1  }
0xa5: {  	v2 =	vld [tilespmem:s23+$0x2780];
	_ =	sdelay $0x1  }
.Ltmp4:
0xa6: {  	(pc) =	sbr.rel @p0 .LBB2_6-.Ltmp4, $3  }
0xa7: {  	v1 =	vmul.u32 $0x2710, v1;
	_ =	sdelay $0x1  }
0xa8: {  	v1 =	vadd.s32 v2, v1  }
0xa9: {  	[tilespmem:s23+$0x7D0] =	vst v1;
	s23 =	sshra.s32 s24, $0x2;
	s24 =	sadd.s32 $0x40, s24  }
0xaa: {  	v1 =	vld [tilespmem:s23+$0x7D0];
	_ =	sdelay $0x1  }
0xab: {  	v2 =	vld [tilespmem:s23+$0x2780];
	_ =	sdelay $0x2  }
0xac: {  	v1 =	vmul.u32 $0x2710, v1;
	_ =	sdelay $0x1  }
0xad: {  	v1 =	vadd.s32 v2, v1  }
0xae: {  	s1 =	simm.s32 $0x0;
	s28 =	rddreg [dreg:$0x19];
	[tilespmem:s23+$0x7D0] =	vst v1  }
0xaf: {  	[tilespmem:s6], [sflag:$0xB] =	stream.linear.gather [hbm4b:s28+s1], $0x7D0, $0x38;
	[tilespmem:$0x1FB00] =	vst v63  }
0xb0: {  	_ =	swait.ge [sflag:s0], $0x7D0  }
0xb1: {  	[sflag:s0] =	ssyncset.done $0x0  }
0xb2: {  	s24 =	simm.s32 $0x40;
	s23 =	simm.s32 $0x0;
	[sflag:s0] =	ssyncadd.s32 $0xFFFFF830  }
.LBB2_8:
0xb3: {  	p0 =	sne.s32 s24, $0x1F00;
	v1 =	vld [tilespmem:s23+$0xFA0];
	_ =	sdelay $0x1  }
0xb4: {  	v2 =	vld [tilespmem:s23+$0x2780];
	_ =	sdelay $0x1  }
.Ltmp5:
0xb5: {  	(pc) =	sbr.rel @p0 .LBB2_8-.Ltmp5, $3  }
0xb6: {  	v1 =	vmul.u32 $0x2710, v1;
	_ =	sdelay $0x1  }
0xb7: {  	v1 =	vadd.s32 v2, v1  }
0xb8: {  	[tilespmem:s23+$0xFA0] =	vst v1;
	s23 =	sshra.s32 s24, $0x2;
	s24 =	sadd.s32 $0x40, s24  }
0xb9: {  	v1 =	vld [tilespmem:s23+$0xFA0];
	_ =	sdelay $0x1  }
0xba: {  	v2 =	vld [tilespmem:s23+$0x2780];
	_ =	sdelay $0x2  }
0xbb: {  	v1 =	vmul.u32 $0x2710, v1;
	_ =	sdelay $0x1  }
0xbc: {  	v1 =	vadd.s32 v2, v1  }
0xbd: {  	s1 =	simm.s32 $0x0;
	[tilespmem:s23+$0xFA0] =	vst v1  }
0xbe: {  	[tilespmem:s6], [sflag:$0xB] =	stream.linear.gather [hbm4b:s29+s1], $0x7D0, $0x38;
	[tilespmem:$0x1FB00] =	vst v63  }
0xbf: {  	_ =	swait.ge [sflag:s0], $0x7D0  }
0xc0: {  	[sflag:s0] =	ssyncset.done $0x0  }
0xc1: {  	s24 =	simm.s32 $0x40;
	s23 =	simm.s32 $0x0;
	[sflag:s0] =	ssyncadd.s32 $0xFFFFF830  }
.LBB2_10:
0xc2: {  	p0 =	sne.s32 s24, $0x1F00;
	v1 =	vld [tilespmem:s23+$0x1770];
	_ =	sdelay $0x1  }
0xc3: {  	v2 =	vld [tilespmem:s23+$0x2780];
	_ =	sdelay $0x1  }
.Ltmp6:
0xc4: {  	(pc) =	sbr.rel @p0 .LBB2_10-.Ltmp6, $3  }
0xc5: {  	v1 =	vmul.u32 $0x2710, v1;
	_ =	sdelay $0x1  }
0xc6: {  	v1 =	vadd.s32 v2, v1  }
0xc7: {  	[tilespmem:s23+$0x1770] =	vst v1;
	s23 =	sshra.s32 s24, $0x2;
	s24 =	sadd.s32 $0x40, s24  }
0xc8: {  	v1 =	vld [tilespmem:s23+$0x1770];
	_ =	sdelay $0x1  }
0xc9: {  	v2 =	vld [tilespmem:s23+$0x2780];
	_ =	sdelay $0x2  }
0xca: {  	v1 =	vmul.u32 $0x2710, v1;
	_ =	sdelay $0x1  }
0xcb: {  	v1 =	vadd.s32 v2, v1  }
0xcc: {  	s1 =	simm.s32 $0x0;
	[tilespmem:s23+$0x1770] =	vst v1  }
0xcd: {  	[tilespmem:s6], [sflag:$0xB] =	stream.linear.gather [hbm4b:s30+s1], $0x7D0, $0x38;
	[tilespmem:$0x1FB00] =	vst v63  }
0xce: {  	_ =	swait.ge [sflag:s0], $0x7D0  }
0xcf: {  	[sflag:s0] =	ssyncset.done $0x0  }
0xd0: {  	s24 =	simm.s32 $0x40;
	s23 =	simm.s32 $0x0;
	[sflag:s0] =	ssyncadd.s32 $0xFFFFF830  }
.LBB2_12:
0xd1: {  	p0 =	sne.s32 s24, $0x1F00;
	v1 =	vld [tilespmem:s23+$0x1F40];
	_ =	sdelay $0x1  }
0xd2: {  	v2 =	vld [tilespmem:s23+$0x2780];
	_ =	sdelay $0x1  }
.Ltmp7:
0xd3: {  	(pc) =	sbr.rel @p0 .LBB2_12-.Ltmp7, $3  }
0xd4: {  	v1 =	vmul.u32 $0x2710, v1;
	_ =	sdelay $0x1  }
0xd5: {  	v1 =	vadd.s32 v2, v1  }
0xd6: {  	[tilespmem:s23+$0x1F40] =	vst v1;
	s23 =	sshra.s32 s24, $0x2;
	s24 =	sadd.s32 $0x40, s24  }
0xd7: {  	v1 =	vld [tilespmem:s23+$0x1F40];
	_ =	sdelay $0x1  }
0xd8: {  	v2 =	vld [tilespmem:s23+$0x2780];
	_ =	sdelay $0x2  }
0xd9: {  	v1 =	vmul.u32 $0x2710, v1;
	_ =	sdelay $0x1  }
0xda: {  	v1 =	vadd.s32 v2, v1  }
0xdb: {  	[tilespmem:s23+$0x1F40] =	vst v1  }
0xdc: {  	s23 =	simm.s32 $0x0;
	[bflag:$0x0] =	sbarrier.arrive $0xFFFF  }
0xdd: {  	[tilespmem:s31], [sflag:$0x1] =	stream.indirect.gather [hbm4b:s4+s7], $0x80, s23, s7, $0xb8;
	[tilespmem:$0x1FB00] =	vst v63  }
0xde: {  	_ = 	snop  }
0xdf: {  	[tilespmem:s8], [sflag:$0x2] =	stream.indirect.gather [hbm4b:s4+s7], $0x80, s7, s7, $0xb8;
	[tilespmem:$0x1FB00] =	vst v63  }
0xe0: {  	s1 =	simm.s32 $0x50  }
0xe1: {  	[tilespmem:s9], [sflag:$0x3] =	stream.indirect.gather [hbm4b:s4+s7], $0x80, s1, s7, $0xb8;
	[tilespmem:$0x1FB00] =	vst v63  }
0xe2: {  	s26 =	simm.s32 $0x78  }
0xe3: {  	[tilespmem:s10], [sflag:$0x4] =	stream.indirect.gather [hbm4b:s4+s7], $0x80, s26, s7, $0xb8;
	[tilespmem:$0x1FB00] =	vst v63  }
0xe4: {  	s28 =	simm.s32 $0xA0  }
0xe5: {  	[tilespmem:s11], [sflag:$0x5] =	stream.indirect.gather [hbm4b:s4+s7], $0x80, s28, s7, $0xb8;
	[tilespmem:$0x1FB00] =	vst v63  }
0xe6: {  	_ =	swait.ge [sflag:s12], $0x1400  }
0xe7: {  	[sflag:s12] =	ssyncset.done $0x0  }
0xe8: {  	[sflag:s12] =	ssyncadd.s32 $0xFFFFEC00  }
0xe9: {  	[spmem:s2] =	stream.indirect.scatter.add.f32 [tilespmem:s31], [sflag:$0x6], $0x80, s25, s7, $0xb8;
	[tilespmem:$0x1FB00] =	vst v63  }
0xea: {  	_ =	swait.ge [sflag:s13], $0x1400  }
0xeb: {  	[sflag:s13] =	ssyncset.done $0x0  }
0xec: {  	s24 =	simm.s32 $0x2FA8;
	[sflag:s13] =	ssyncadd.s32 $0xFFFFEC00  }
0xed: {  	[spmem:s2] =	stream.indirect.scatter.add.f32 [tilespmem:s8], [sflag:$0x7], $0x80, s24, s7, $0xb8;
	[tilespmem:$0x1FB00] =	vst v63  }
0xee: {  	_ =	swait.ge [sflag:s14], $0x1400  }
0xef: {  	[sflag:s14] =	ssyncset.done $0x0  }
0xf0: {  	s25 =	simm.s32 $0xC8;
	[sflag:s14] =	ssyncadd.s32 $0xFFFFEC00  }
0xf1: {  	[tilespmem:s31], [sflag:$0x1] =	stream.indirect.gather [hbm4b:s4+s7], $0x80, s25, s7, $0xb8;
	[tilespmem:$0x1FB00] =	vst v63  }
0xf2: {  	_ =	swait.ge [sflag:s15], $0x1400  }
0xf3: {  	[sflag:s15] =	ssyncset.done $0x0  }
0xf4: {  	s26 =	simm.s32 $0x2FD0;
	[sflag:s15] =	ssyncadd.s32 $0xFFFFEC00  }
0xf5: {  	[spmem:s2] =	stream.indirect.scatter.add.f32 [tilespmem:s9], [sflag:$0x8], $0x80, s26, s7, $0xb8;
	[tilespmem:$0x1FB00] =	vst v63  }
0xf6: {  	_ =	swait.ge [sflag:s16], $0x1400  }
0xf7: {  	[sflag:s16] =	ssyncset.done $0x0  }
0xf8: {  	s28 =	simm.s32 $0xF0;
	[sflag:s16] =	ssyncadd.s32 $0xFFFFEC00  }
0xf9: {  	[tilespmem:s8], [sflag:$0x2] =	stream.indirect.gather [hbm4b:s4+s7], $0x80, s28, s7, $0xb8;
	[tilespmem:$0x1FB00] =	vst v63  }
0xfa: {  	_ =	swait.ge [sflag:s17], $0x1400  }
0xfb: {  	[sflag:s17] =	ssyncset.done $0x0  }
0xfc: {  	s24 =	simm.s32 $0x2FF8;
	[sflag:s17] =	ssyncadd.s32 $0xFFFFEC00  }
0xfd: {  	[spmem:s2] =	stream.indirect.scatter.add.f32 [tilespmem:s10], [sflag:$0x9], $0x80, s24, s7, $0xb8;
	[tilespmem:$0x1FB00] =	vst v63  }
0xfe: {  	_ =	swait.ge [sflag:s18], $0x1400  }
0xff: {  	[sflag:s18] =	ssyncset.done $0x0  }
0x100: {  	s25 =	simm.s32 $0x118;
	[sflag:s18] =	ssyncadd.s32 $0xFFFFEC00  }
0x101: {  	[tilespmem:s9], [sflag:$0x3] =	stream.indirect.gather [hbm4b:s4+s7], $0x80, s25, s7, $0xb8;
	[tilespmem:$0x1FB00] =	vst v63  }
0x102: {  	_ =	swait.ge [sflag:s19], $0x1400  }
0x103: {  	[sflag:s19] =	ssyncset.done $0x0  }
0x104: {  	s26 =	simm.s32 $0x3020;
	[sflag:s19] =	ssyncadd.s32 $0xFFFFEC00  }
0x105: {  	[spmem:s2] =	stream.indirect.scatter.add.f32 [tilespmem:s11], [sflag:$0xA], $0x80, s26, s7, $0xb8;
	[tilespmem:$0x1FB00] =	vst v63  }
0x106: {  	_ =	swait.ge [sflag:s21], $0x1400  }
0x107: {  	[sflag:s21] =	ssyncset.done $0x0  }
0x108: {  	s28 =	simm.s32 $0x140;
	[sflag:s21] =	ssyncadd.s32 $0xFFFFEC00  }
0x109: {  	[tilespmem:s10], [sflag:$0x4] =	stream.indirect.gather [hbm4b:s4+s7], $0x80, s28, s7, $0xb8;
	[tilespmem:$0x1FB00] =	vst v63  }
.LBB2_14:
0x10a: {  	_ =	swait.ge [sflag:s12], $0x1400  }
0x10b: {  	s24 =	sshra.s32 s23, $0x2;
	[sflag:s12] =	ssyncset.done $0x0  }
0x10c: {  	s1 =	sadd.s32 $0x3048, s24;
	[sflag:s12] =	ssyncadd.s32 $0xFFFFEC00  }
0x10d: {  	[spmem:s2] =	stream.indirect.scatter.add.f32 [tilespmem:s31], [sflag:$0x6], $0x80, s1, s7, $0xb8;
	[tilespmem:$0x1FB00] =	vst v63  }
0x10e: {  	_ =	swait.ge [sflag:s22], $0x1400  }
0x10f: {  	[sflag:s22] =	ssyncset.done $0x0  }
0x110: {  	s25 =	sadd.s32 $0x168, s24;
	[sflag:s22] =	ssyncadd.s32 $0xFFFFEC00  }
0x111: {  	[tilespmem:s11], [sflag:$0x5] =	stream.indirect.gather [hbm4b:s4+s7], $0x80, s25, s7, $0xb8;
	[tilespmem:$0x1FB00] =	vst v63  }
0x112: {  	_ =	swait.ge [sflag:s13], $0x1400  }
0x113: {  	[sflag:s13] =	ssyncset.done $0x0  }
0x114: {  	s26 =	sadd.s32 $0x3070, s24;
	[sflag:s13] =	ssyncadd.s32 $0xFFFFEC00  }
0x115: {  	[spmem:s2] =	stream.indirect.scatter.add.f32 [tilespmem:s8], [sflag:$0x7], $0x80, s26, s7, $0xb8;
	[tilespmem:$0x1FB00] =	vst v63  }
0x116: {  	_ =	swait.ge [sflag:s14], $0x1400  }
0x117: {  	p0 =	seq.s32 s23, $0x9600;
	[sflag:s14] =	ssyncset.done $0x0  }
0x118: {  	s1 =	simm.s32 @p0 $0x3;
	[sflag:s14] =	ssyncadd.s32 $0xFFFFEC00  }
0x119: {  	_ =	swait.ge @p0 [sflag:s1], $0x1400  }
0x11a: {  	[sflag:s1] =	ssyncset.done @p0 $0x0  }
0x11b: {  	[sflag:s1] =	ssyncadd.s32 @p0 $0xFFFFEC00;
	s1 =	sshra.s32 @p0 s23, $0x2  }
0x11c: {  	s25 =	simm.s32 @p0 $0x28;
	s26 =	simm.s32 @p0 $0x7F00;
	s1 =	sadd.s32 @p0 $0x3098, s1  }
0x11d: {  	[spmem:s2] =	stream.indirect.scatter.add.f32 @p0 [tilespmem:s26], [sflag:$0x8], $0x80, s1, s25, $0xb8;
	[tilespmem:$0x1FB00] =	vst v63  }
0x11e: {  	s1 =	simm.s32 @p0 $0x7  }
0x11f: {  	_ =	swait.ge @p0 [sflag:s1], $0x1400  }
0x120: {  	[sflag:s1] =	ssyncset.done @p0 $0x0  }
0x121: {  	[sflag:s1] =	ssyncadd.s32 @p0 $0xFFFFEC00;
	s1 =	sshra.s32 @!p0 s23, $0x2  }
0x122: {  	s28 =	simm.s32 @!p0 $0x5700;
	s26 =	simm.s32 @!p0 $0x28;
	s25 =	sadd.s32 @!p0 $0x190, s1  }
0x123: {  	[tilespmem:s28], [sflag:$0x1] =	stream.indirect.gather @!p0 [hbm4b:s4+s26], $0x80, s25, s26, $0xb8;
	[tilespmem:$0x1FB00] =	vst v63  }
0x124: {  	s25 =	simm.s32 @!p0 $0x3  }
0x125: {  	_ =	swait.ge @!p0 [sflag:s25], $0x1400  }
0x126: {  	[sflag:s25] =	ssyncset.done @!p0 $0x0  }
0x127: {  	s28 =	simm.s32 @!p0 $0x7F00;
	[sflag:s25] =	ssyncadd.s32 @!p0 $0xFFFFEC00;
	s25 =	sadd.s32 @!p0 $0x3098, s1  }
0x128: {  	[spmem:s2] =	stream.indirect.scatter.add.f32 @!p0 [tilespmem:s28], [sflag:$0x8], $0x80, s25, s26, $0xb8;
	[tilespmem:$0x1FB00] =	vst v63  }
0x129: {  	s25 =	simm.s32 @!p0 $0x7  }
0x12a: {  	_ =	swait.ge @!p0 [sflag:s25], $0x1400  }
0x12b: {  	[sflag:s25] =	ssyncset.done @!p0 $0x0  }
0x12c: {  	s1 =	sadd.s32 @!p0 $0x1B8, s1;
	[sflag:s25] =	ssyncadd.s32 @!p0 $0xFFFFEC00;
	s25 =	simm.s32 @!p0 $0x6B00  }
0x12d: {  	[tilespmem:s25], [sflag:$0x2] =	stream.indirect.gather @!p0 [hbm4b:s4+s26], $0x80, s1, s26, $0xb8;
	[tilespmem:$0x1FB00] =	vst v63  }
0x12e: {  	_ =	swait.ge [sflag:s17], $0x1400  }
0x12f: {  	[sflag:s17] =	ssyncset.done $0x0  }
.Ltmp8:
0x130: {  	s28 =	sadd.s32 $0x30C0, s24;
	[sflag:s17] =	ssyncadd.s32 $0xFFFFEC00;
	(pc) =	sbr.rel @p0 .LBB2_16-.Ltmp8, $4  }
0x131: {  	[spmem:s2] =	stream.indirect.scatter.add.f32 [tilespmem:s10], [sflag:$0x9], $0x80, s28, s7, $0xb8;
	[tilespmem:$0x1FB00] =	vst v63  }
0x132: {  	_ =	swait.ge [sflag:s18], $0x1400  }
0x133: {  	[sflag:s18] =	ssyncset.done $0x0  }
0x134: {  	s1 =	sadd.s32 $0x30E8, s24;
	[sflag:s18] =	ssyncadd.s32 $0xFFFFEC00  }
0x135: {  	s25 =	sadd.s32 $0x1E0, s24  }
0x136: {  	[tilespmem:s9], [sflag:$0x3] =	stream.indirect.gather [hbm4b:s4+s7], $0x80, s25, s7, $0xb8;
	[tilespmem:$0x1FB00] =	vst v63  }
0x137: {  	_ =	swait.ge [sflag:s19], $0x1400  }
0x138: {  	[sflag:s19] =	ssyncset.done $0x0  }
0x139: {  	[sflag:s19] =	ssyncadd.s32 $0xFFFFEC00  }
0x13a: {  	[spmem:s2] =	stream.indirect.scatter.add.f32 [tilespmem:s11], [sflag:$0xA], $0x80, s1, s7, $0xb8;
	[tilespmem:$0x1FB00] =	vst v63  }
.Ltmp9:
0x13b: {  	_ = 	snop;
	(pc) =	sbr.rel .LBB2_14-.Ltmp9, $4  }
0x13c: {  	_ =	swait.ge [sflag:s21], $0x1400  }
0x13d: {  	[sflag:s21] =	ssyncset.done $0x0  }
0x13e: {  	s28 =	sadd.s32 $0x208, s24;
	s23 =	sadd.s32 $0x320, s23;
	[sflag:s21] =	ssyncadd.s32 $0xFFFFEC00  }
0x13f: {  	[tilespmem:s10], [sflag:$0x4] =	stream.indirect.gather [hbm4b:s4+s7], $0x80, s28, s7, $0xb8;
	[tilespmem:$0x1FB00] =	vst v63  }
.LBB2_17:
0x140: {  	_ =	sfence.sel $0x180000  }
0x141: {  	[bflag:$0x0] =	sbarrier.arrive $0xFFFF  }
0x142: {  	_ =	strace $0x90000047  }
0x143: {  	s0 =	stileid.u32;
	[bflag:$0x2] =	sbarrier.arrive $0xFFFF  }
0x144: {  	p0 =	sne.s32 s0, $0x0;
	s0 =	rddreg [dreg:$0x4]  }
0x145: {  	s0 =	sadd.s32 @!p0 $0x100000, s0  }
0x146: {  	[sflag:s0] =	ssyncadd.tile.s32 @!p0 $0x1;
	_ =	shalt  }
.Lfunc_end2:
_tile_overlayer_lowered:
.L_overlay_start_2:
0x147: {  	(tag) =	ssettag $0x2  }
0x148: {  	s0 =	rddreg [dreg:$0x0];
	s2 =	stileid.u32  }
0x149: {  	s1 =	rddreg [dreg:$0x1];
	p0 =	sne.s32 s2, $0x0  }
0x14a: {  	s3 =	rddreg [dreg:$0x2];
	[bflag:$0x3] =	sbarrier.arrive $0xFFFF;
	s2 =	simm.s32 @!p0 $0x1C0B  }
0x14b: {  	[timem:s3], [sflag:s2] =	dma.local @!p0 [hbm:s0], s1  }
0x14c: {  	s0 =	simm.s32 @!p0 $0xB  }
0x14d: {  	_ =	swait.ge @!p0 [sflag:s0], s1  }
0x14e: {  	s1 =	ssub.s32 @!p0 $0x0, s1;
	[sflag:s0] =	ssyncset.done @!p0 $0x0  }
0x14f: {  	[sflag:s0] =	ssyncadd.s32 @!p0 s1  }
0x150: {  	[bflag:$0x3] =	sbarrier.arrive $0xFFFF  }
0x151: {  	_ =	shalt  }

</sc_bundles>
